<compile_context>
chip_gen: v7x
topology: tpu7x:2x2x1
jax: 0.10.2.dev20260603
libtpu: 0.0.44.dev20260713+nightly
codegen_flags: <defaults>
</compile_context>

<pallas_src>
import functools

import jax
import jax.numpy as jnp
from jax import lax
from jax.experimental import pallas as pl
from jax.experimental.pallas import tpu as pltpu
from jax.experimental.pallas import tpu_sc as plsc

B, N, D, H, MAX_K = 4, 2048, 768, 256, 20
KPAD = 32
BLKN = 2048
NB = N // BLKN


def _score_sum_kernel(tok_ref, wp1_ref, bp1_ref, wp2_ref, scores_ref, sum_ref):
    t = tok_ref[0]
    h = jnp.maximum(
        jnp.dot(t, wp1_ref[...], preferred_element_type=jnp.float32)
        + bp1_ref[...], 0.0)
    s = jnp.dot(h, wp2_ref[...], preferred_element_type=jnp.float32)
    scores_ref[0] = s
    sum_ref[0] = jnp.sum(t, axis=0, keepdims=True)


def _scores_and_sums(tokens, W_p1, b_p1, W_p2):
    scores4, tsum = pl.pallas_call(
        _score_sum_kernel,
        grid=(B,),
        in_specs=[
            pl.BlockSpec((1, N, D), lambda b: (b, 0, 0)),
            pl.BlockSpec((D, H), lambda b: (0, 0)),
            pl.BlockSpec((1, H), lambda b: (0, 0)),
            pl.BlockSpec((H, 1), lambda b: (0, 0)),
        ],
        out_specs=[
            pl.BlockSpec((1, N, 1), lambda b: (b, 0, 0)),
            pl.BlockSpec((1, 1, D), lambda b: (b, 0, 0)),
        ],
        out_shape=[
            jax.ShapeDtypeStruct((B, N, 1), jnp.float32),
            jax.ShapeDtypeStruct((B, 1, D), jnp.float32),
        ],
        compiler_params=pltpu.CompilerParams(
            dimension_semantics=("parallel",)),
    )(tokens, W_p1, b_p1.reshape(1, H), W_p2)
    return scores4.reshape(B, N), tsum.reshape(B, D)


TPB = 8
CHUNK = N // TPB
SLOTS = KPAD
MERGE = TPB * SLOTS


def _sc_topk_gather_body(scores_hbm, tokens_hbm, out_hbm, sc_v, mv, mi,
                         stage_v, stage_i, idx_v, rows_v, idx_t, shared_v,
                         shared_i, rk, sem):
    c = lax.axis_index("c")
    s = lax.axis_index("s")
    bl = s // TPB
    b = c * 2 + bl
    t = s % TPB
    lane = lax.iota(jnp.int32, 16)
    zeros16 = jnp.zeros((16,), jnp.int32)
    neg = jnp.float32(-3.0e38)
    negv = jnp.zeros((16,), jnp.float32) + neg

    pltpu.sync_copy(scores_hbm.at[b, pl.ds(t * CHUNK, CHUNK)], sc_v)
    jbase = t * CHUNK

    def round1(r, carry):
        c0, c1, i0, i1 = carry
        vmax, cchunk = negv, zeros16
        for j in range(CHUNK // 16):
            v = sc_v[pl.ds(j * 16, 16)]
            upd = v > vmax
            vmax = jnp.where(upd, v, vmax)
            cchunk = jnp.where(upd, zeros16 + j, cchunk)
        vidx = (cchunk * 16 + lane) + jbase
        for step in (8, 4, 2, 1):
            vp = vmax.at[lane ^ step].get(mode="promise_in_bounds")
            ip = vidx.at[lane ^ step].get(mode="promise_in_bounds")
            swap = (vp > vmax) | ((vp == vmax) & (ip < vidx))
            vmax = jnp.where(swap, vp, vmax)
            vidx = jnp.where(swap, ip, vidx)
        hit0 = lane == jnp.where(r < 16, r, 99)
        hit1 = lane == jnp.where(r >= 16, r - 16, 99)
        c0 = jnp.where(hit0, vmax, c0)
        i0 = jnp.where(hit0, vidx, i0)
        c1 = jnp.where(hit1, vmax, c1)
        i1 = jnp.where(hit1, vidx, i1)
        loc = vidx[0] - jbase
        off = loc & jnp.int32(-16)
        l0 = loc & jnp.int32(15)
        vv = sc_v[pl.ds(off, 16)]
        sc_v[pl.ds(off, 16)] = jnp.where(lane == l0, neg, vv)
        return c0, c1, i0, i1

    c0, c1, i0, i1 = lax.fori_loop(
        0, MAX_K, round1, (negv, negv, zeros16, zeros16))

    stage_v[pl.ds(0, 16)] = c0
    stage_v[pl.ds(16, 16)] = c1
    stage_i[pl.ds(0, 16)] = i0
    stage_i[pl.ds(16, 16)] = i1
    pltpu.sync_copy(stage_v, shared_v.at[bl, pl.ds(t * SLOTS, SLOTS)])
    pltpu.sync_copy(stage_i, shared_i.at[bl, pl.ds(t * SLOTS, SLOTS)])
    plsc.subcore_barrier()

    @pl.when(t == 0)
    def _():
        pltpu.sync_copy(shared_v.at[bl], mv)
        pltpu.sync_copy(shared_i.at[bl], mi)
        base = b * N
        h_v = negv
        h_i = zeros16
        for tt in range(TPB):
            h_v = jnp.where(lane == tt, mv[pl.ds(tt * SLOTS, 16)][0], h_v)
            h_i = jnp.where(lane == tt, mi[pl.ds(tt * SLOTS, 16)][0], h_i)
            rk[tt] = 1

        def round2(r, carry):
            idx0, idx1, h_v, h_i = carry
            v, p = h_v, h_i * 16 + lane
            for step in (8, 4, 2, 1):
                vp = v.at[lane ^ step].get(mode="promise_in_bounds")
                pp = p.at[lane ^ step].get(mode="promise_in_bounds")
                swap = (vp > v) | ((vp == v) & (pp < p))
                v = jnp.where(swap, vp, v)
                p = jnp.where(swap, pp, p)
            pw = p[0]
            wl = pw & jnp.int32(15)
            gi = base + (pw >> 4)
            hit0 = lane == jnp.where(r < 16, r, 99)
            hit1 = lane == jnp.where(r >= 16, r - 16, 99)
            idx0 = jnp.where(hit0, gi, idx0)
            idx1 = jnp.where(hit1, gi, idx1)
            wlv = lane == wl
            rank = rk[wl]
            rk[wl] = rank + 1
            pos = wl * SLOTS + rank
            off = pos & jnp.int32(-16)
            l0 = zeros16 + (pos & jnp.int32(15))
            nv = mv[pl.ds(off, 16)].at[l0].get(mode="promise_in_bounds")
            ni = mi[pl.ds(off, 16)].at[l0].get(mode="promise_in_bounds")
            h_v = jnp.where(wlv, nv, h_v)
            h_i = jnp.where(wlv, ni, h_i)
            return idx0, idx1, h_v, h_i

        idx0, idx1, _, _ = lax.fori_loop(
            0, MAX_K, round2,
            (zeros16 + base, zeros16 + base, h_v, h_i))
        idx_v[pl.ds(0, 16)] = idx0
        idx_v[pl.ds(16, 16)] = idx1
        pltpu.sync_copy(idx_v, shared_i.at[bl, pl.ds(0, KPAD)])

    plsc.subcore_barrier()

    @pl.when(t < 4)
    def _():
        pltpu.sync_copy(shared_i.at[bl, pl.ds(t * 8, 8)], idx_t)
        pltpu.async_copy(tokens_hbm.at[idx_t], rows_v, sem).wait()
        pltpu.sync_copy(rows_v, out_hbm.at[b, pl.ds(t * 8, 8)])


def _topk_gather(scores, tokens_flat):
    mesh = plsc.VectorSubcoreMesh(core_axis_name="c", subcore_axis_name="s")
    fn = functools.partial(
        pl.kernel,
        out_type=jax.ShapeDtypeStruct((B, KPAD, D), jnp.float32),
        mesh=mesh,
        scratch_types=[
            pltpu.VMEM((CHUNK,), jnp.float32),
            pltpu.VMEM((MERGE,), jnp.float32),
            pltpu.VMEM((MERGE,), jnp.int32),
            pltpu.VMEM((SLOTS,), jnp.float32),
            pltpu.VMEM((SLOTS,), jnp.int32),
            pltpu.VMEM((KPAD,), jnp.int32),
            pltpu.VMEM((8, D), jnp.float32),
            pltpu.VMEM((8,), jnp.int32),
            pltpu.VMEM_SHARED((2, MERGE), jnp.float32),
            pltpu.VMEM_SHARED((2, MERGE), jnp.int32),
            pltpu.SMEM((TPB,), jnp.int32),
            pltpu.SemaphoreType.DMA,
        ],
    )(_sc_topk_gather_body)
    return fn(scores, tokens_flat)


def _final_kernel(sum_ref, g_ref, we, be, wa1, ba1, wa2, ba2, wk1, bk1,
                  wk2, bk2, wr1, br1, wr2, br2, wf1, bf1, wf2, bf2, out_ref):
    ts = sum_ref[...]
    ri = ts * (1.0 / N)
    feat = jnp.maximum(
        jnp.dot(ri, we[...], preferred_element_type=jnp.float32) + be[...], 0.0)
    ah = jnp.maximum(
        jnp.dot(feat, wa1[...], preferred_element_type=jnp.float32) + ba1[...], 0.0)
    alogit = jnp.dot(ah, wa2[...], preferred_element_type=jnp.float32) + ba2[...]
    alpha = 1.0 / (1.0 + jnp.exp(-alogit))
    kh = jnp.maximum(
        jnp.dot(feat, wk1[...], preferred_element_type=jnp.float32) + bk1[...], 0.0)
    kx = jnp.dot(kh, wk2[...], preferred_element_type=jnp.float32) + bk2[...]
    kraw = jnp.maximum(kx, 0.0) + jnp.log1p(jnp.exp(-jnp.abs(kx)))
    kkf = jnp.clip(jnp.round(kraw), 1.0, float(MAX_K))
    ta = jnp.maximum(1.0, jnp.floor(alpha * kkf))

    g = g_ref[...]
    g2 = g.reshape(B * KPAD, D)
    rh = jnp.maximum(
        jnp.dot(g2, wr1[...], preferred_element_type=jnp.float32) + br1[...], 0.0)
    rr = jnp.dot(rh, wr2[...], preferred_element_type=jnp.float32) + br2[...]
    rr = rr.reshape(B, KPAD, D)

    pos = lax.broadcasted_iota(jnp.int32, (B, KPAD), 1).astype(jnp.float32)
    mask = (pos < ta).astype(jnp.float32)[:, :, None]
    refined_sum = jnp.sum(rr * mask, axis=1)
    sel_sum = jnp.sum(g * mask, axis=1)
    pooled = (ts - sel_sum) / (float(N) - ta)
    fm = (refined_sum + pooled) / (ta + 1.0)
    fh = jnp.maximum(
        jnp.dot(fm, wf1[...], preferred_element_type=jnp.float32) + bf1[...], 0.0)
    out_ref[...] = jnp.dot(fh, wf2[...], preferred_element_type=jnp.float32) + bf2[...]


def _make_spec(shape):
    nd = len(shape)
    return pl.BlockSpec(shape, lambda *_, __nd=nd: (0,) * __nd)


def _final(token_sum, gathered, W_enc, b_enc, W_a1, b_a1, W_a2, b_a2,
           W_k1, b_k1, W_k2, b_k2, W_r1, b_r1, W_r2, b_r2,
           W_f1, b_f1, W_f2, b_f2):
    args = [token_sum, gathered,
            W_enc, b_enc.reshape(1, -1), W_a1, b_a1.reshape(1, -1),
            W_a2, b_a2.reshape(1, -1), W_k1, b_k1.reshape(1, -1),
            W_k2, b_k2.reshape(1, -1), W_r1, b_r1.reshape(1, -1),
            W_r2, b_r2.reshape(1, -1), W_f1, b_f1.reshape(1, -1),
            W_f2, b_f2.reshape(1, -1)]
    return pl.pallas_call(
        _final_kernel,
        in_specs=[_make_spec(a.shape) for a in args],
        out_specs=pl.BlockSpec((B, D), lambda: (0, 0)),
        out_shape=jax.ShapeDtypeStruct((B, D), jnp.float32),
    )(*args)


def kernel(tokens, W_enc, b_enc, W_a1, b_a1, W_a2, b_a2, W_k1, b_k1,
           W_k2, b_k2, W_p1, b_p1, W_p2, b_p2, W_r1, b_r1, W_r2, b_r2,
           W_f1, b_f1, W_f2, b_f2):
    scores, token_sum = _scores_and_sums(tokens, W_p1, b_p1, W_p2)
    gathered = _topk_gather(scores, tokens.reshape(B * N, D))
    return _final(token_sum, gathered, W_enc, b_enc, W_a1, b_a1, W_a2, b_a2,
                  W_k1, b_k1, W_k2, b_k2, W_r1, b_r1, W_r2, b_r2,
                  W_f1, b_f1, W_f2, b_f2)

# --- scband reference (transcript-rebuilt; emitter-appended) ---
"""Pipeline reference for scband-ada-mhf-56384330662504 (READ-ONLY COPY).

The authoritative reference and input builder live on the scoring server;
editing this copy changes nothing except your own understanding.
"""

import jax, jax.numpy as jnp
import numpy as np

B, N, IN_DIM, HID, MAX_K = 4, 2048, 768, 256, 20

def _lin(x, W, b):
    return x @ W + b

def setup_inputs(seed: int = 0):
    key = jax.random.key(seed)
    ks = jax.random.split(key, 16)
    def w(i, shape):
        return 0.02 * jax.random.normal(ks[i], shape, dtype=jnp.float32)
    inp = {}
    inp['tokens'] = jax.random.normal(ks[0], (B, N, IN_DIM), dtype=jnp.float32)
    inp['W_enc'] = w(1, (IN_DIM, HID)); inp['b_enc'] = jnp.zeros((HID,), jnp.float32)
    inp['W_a1'] = w(2, (HID, HID // 2)); inp['b_a1'] = jnp.zeros((HID // 2,), jnp.float32)
    inp['W_a2'] = w(3, (HID // 2, 1)); inp['b_a2'] = jnp.zeros((1,), jnp.float32)
    inp['W_k1'] = w(4, (HID, HID // 2)); inp['b_k1'] = jnp.zeros((HID // 2,), jnp.float32)
    inp['W_k2'] = w(5, (HID // 2, 1)); inp['b_k2'] = jnp.full((1,), 15.0, jnp.float32)
    inp['W_p1'] = w(6, (IN_DIM, HID)); inp['b_p1'] = jnp.zeros((HID,), jnp.float32)
    inp['W_p2'] = w(7, (HID, 1)); inp['b_p2'] = jnp.zeros((1,), jnp.float32)
    inp['W_r1'] = w(8, (IN_DIM, HID)); inp['b_r1'] = jnp.zeros((HID,), jnp.float32)
    inp['W_r2'] = w(9, (HID, IN_DIM)); inp['b_r2'] = jnp.zeros((IN_DIM,), jnp.float32)
    inp['W_f1'] = w(10, (IN_DIM, HID)); inp['b_f1'] = jnp.zeros((HID,), jnp.float32)
    inp['W_f2'] = w(11, (HID, IN_DIM)); inp['b_f2'] = jnp.zeros((IN_DIM,), jnp.float32)
    return inp

def reference(tokens, W_enc, b_enc, W_a1, b_a1, W_a2, b_a2, W_k1, b_k1, W_k2, b_k2, W_p1, b_p1, W_p2, b_p2, W_r1, b_r1, W_r2, b_r2, W_f1, b_f1, W_f2, b_f2):
    Bn, Nn, C = tokens.shape
    router_input = tokens.mean(axis=1)
    feat = jax.nn.relu(_lin(router_input, W_enc, b_enc))
    alpha = jax.nn.sigmoid(_lin(jax.nn.relu(_lin(feat, W_a1, b_a1)), W_a2, b_a2))[:, 0]
    k_raw = jax.nn.softplus(_lin(jax.nn.relu(_lin(feat, W_k1, b_k1)), W_k2, b_k2))[:, 0]
    kk = jnp.clip(jnp.round(k_raw), 1, MAX_K).astype(jnp.int32)
    kk = jnp.minimum(kk, Nn)
    token_importance = _lin(jax.nn.relu(_lin(tokens, W_p1, b_p1)), W_p2, b_p2)[..., 0]
    token_scores = jax.nn.softmax(token_importance, axis=1)
    K = min(MAX_K, Nn)
    pos = jnp.arange(K)
    outs = []
    for b in range(Bn):
        kb = kk[b]
        _, idx = jax.lax.top_k(token_scores[b], K)
        ta = jnp.maximum(1, jnp.floor(alpha[b] * kb.astype(jnp.float32)).astype(jnp.int32))
        sel_mask = (pos < ta).astype(jnp.float32)[:, None]
        topk_toks = tokens[b][idx]
        refined = _lin(jax.nn.relu(_lin(topk_toks, W_r1, b_r1)), W_r2, b_r2)
        refined_sum = (refined * sel_mask).sum(axis=0)
        keep = jnp.ones((Nn,), dtype=bool).at[idx].set(pos >= ta)
        combined_sum = (tokens[b] * keep[:, None].astype(jnp.float32)).sum(axis=0)
        pooled = combined_sum / (Nn - ta).astype(jnp.float32)
        final_mean = (refined_sum + pooled) / (ta + 1).astype(jnp.float32)
        outs.append(final_mean)
    agg = jnp.stack(outs, axis=0)
    return _lin(jax.nn.relu(_lin(agg, W_f1, b_f1)), W_f2, b_f2)

if __name__ == "__main__":
    import jax
    _d = setup_inputs()
    print(jax.jit(kernel)(*tuple(_d.values())))

</pallas_src>

<mosaic_0001>
#map = affine_map<(d0, d1) -> (0, 0)>
#map1 = affine_map<(d0, d1) -> (0, 0, 0)>
module attributes {stable_mosaic.version = 14 : i64} {
  func.func @_sc_topk_gather_body(%arg0: i32, %arg1: i32, %arg2: memref<4x2048xf32, #tpu.memory_space<hbm>>, %arg3: memref<8192x768xf32, #tpu.memory_space<hbm>>, %arg4: memref<4x32x768xf32, #tpu.memory_space<hbm>>, %arg5: memref<256xf32, #tpu.memory_space<vmem>>, %arg6: memref<256xf32, #tpu.memory_space<vmem>>, %arg7: memref<256xi32, #tpu.memory_space<vmem>>, %arg8: memref<32xf32, #tpu.memory_space<vmem>>, %arg9: memref<32xi32, #tpu.memory_space<vmem>>, %arg10: memref<32xi32, #tpu.memory_space<vmem>>, %arg11: memref<8x768xf32, #tpu.memory_space<vmem>>, %arg12: memref<8xi32, #tpu.memory_space<vmem>>, %arg13: memref<2x256xf32, #tpu.memory_space<vmem_shared>>, %arg14: memref<2x256xi32, #tpu.memory_space<vmem_shared>>, %arg15: memref<8xi32, #tpu.memory_space<smem>>, %arg16: memref<!tpu.dma_semaphore, #tpu.memory_space<semaphore_mem>>) attributes {dimension_semantics = [#tpu.dimension_semantics<core_parallel>, #tpu.dimension_semantics<subcore_parallel>], iteration_bounds = array<i64: 2, 16>, scalar_prefetch = 0 : i64, scratch_operands = 12 : i64, tpu.core_type = #tpu.core_type<sc_vector_subcore>, window_params = [{transform_indices = #map}, {transform_indices = #map}, {transform_indices = #map1}]} {
    %jit3A = arith.constant 8 : i32
    %div3A = arith.divsi %arg1, %jit3A : i32
    %sign3A = arith.constant 0 : i32
    %sign3A_0 = arith.cmpi sgt, %arg1, %sign3A : i32
    %sign3A_1 = arith.extui %sign3A_0 : i1 to i32
    %sign3A_2 = arith.constant 0 : i32
    %sign3A_3 = arith.cmpi slt, %arg1, %sign3A_2 : i32
    %sign3A_4 = arith.extui %sign3A_3 : i1 to i32
    %sign3A_5 = arith.subi %sign3A_1, %sign3A_4 : i32
    %sign3A_6 = arith.constant 0 : i32
    %sign3A_7 = arith.cmpi sgt, %jit3A, %sign3A_6 : i32
    %sign3A_8 = arith.extui %sign3A_7 : i1 to i32
    %sign3A_9 = arith.constant 0 : i32
    %sign3A_10 = arith.cmpi slt, %jit3A, %sign3A_9 : i32
    %sign3A_11 = arith.extui %sign3A_10 : i1 to i32
    %sign3A_12 = arith.subi %sign3A_8, %sign3A_11 : i32
    %ne3A = arith.cmpi ne, %sign3A_5, %sign3A_12 : i32
    %rem3A = arith.remsi %arg1, %jit3A : i32
    %ne3A_13 = arith.constant 0 : i32
    %ne3A_14 = arith.cmpi ne, %rem3A, %ne3A_13 : i32
    %and3A = arith.andi %ne3A, %ne3A_14 : i1
    %sub3A = arith.constant 1 : i32
    %sub3A_15 = arith.subi %div3A, %sub3A : i32
    %select_n3A = arith.select %and3A, %sub3A_15, %div3A : i32
    %mul3A = arith.constant 2 : i32
    %mul3A_16 = arith.muli %arg0, %mul3A : i32
    %add3A = arith.addi %mul3A_16, %select_n3A : i32
    %jit3A_17 = arith.constant 8 : i32
    %eq3A = arith.constant 0 : i32
    %eq3A_18 = arith.cmpi eq, %jit3A_17, %eq3A : i32
    %jit3A_19 = arith.constant 1 : i32
    %select_n3A_20 = arith.select %eq3A_18, %jit3A_19, %jit3A_17 : i32
    %rem3A_21 = arith.remsi %arg1, %select_n3A_20 : i32
    %ne3A_22 = arith.constant 0 : i32
    %ne3A_23 = arith.cmpi ne, %rem3A_21, %ne3A_22 : i32
    %lt3A = arith.constant 0 : i32
    %lt3A_24 = arith.cmpi slt, %rem3A_21, %lt3A : i32
    %lt3A_25 = arith.constant 0 : i32
    %lt3A_26 = arith.cmpi slt, %select_n3A_20, %lt3A_25 : i32
    %ne3A_27 = arith.xori %lt3A_24, %lt3A_26 : i1
    %and3A_28 = arith.andi %ne3A_27, %ne3A_23 : i1
    %add3A_29 = arith.addi %rem3A_21, %select_n3A_20 : i32
    %select_n3A_30 = arith.select %and3A_28, %add3A_29, %rem3A_21 : i32
    %iota3A = tpu.iota {dimensions = array<i32: 0>} : vector<16xi32>
    %broadcast_in_dim3A = arith.constant 0 : i32
    %broadcast_in_dim3A_31 = vector.broadcast %broadcast_in_dim3A : i32 to vector<16xi32>
    %broadcast_in_dim3A_32 = arith.constant 0.000000e+00 : f32
    %broadcast_in_dim3A_33 = vector.broadcast %broadcast_in_dim3A_32 : f32 to vector<16xf32>
    %add3A_34 = arith.constant -3.000000e+38 : f32
    %add3A_35 = vector.broadcast %add3A_34 : f32 to vector<16xf32>
    %add3A_36 = arith.addf %broadcast_in_dim3A_33, %add3A_35 : vector<16xf32>
    %mul3A_37 = arith.constant 256 : i32
    %mul3A_38 = arith.muli %select_n3A_30, %mul3A_37 : i32
    "tpu.region"() ({
      %run_scoped3A = tpu.sem_alloc : memref<!tpu.dma_semaphore, #tpu.memory_space<semaphore_mem>>
      %dma_start3A = tpu.memref_slice %arg2[%add3A, %mul3A_38] : memref<4x2048xf32, #tpu.memory_space<hbm>> -> memref<1x256xf32, #tpu.memory_space<hbm>>
      %dma_start3A_75 = tpu.memref_squeeze %dma_start3A : memref<1x256xf32, #tpu.memory_space<hbm>> -> memref<256xf32, #tpu.memory_space<hbm>>
      %dma_start3A_76 = tpu.memref_slice %arg2[%add3A, %mul3A_38] : memref<4x2048xf32, #tpu.memory_space<hbm>> -> memref<1x256xf32, #tpu.memory_space<hbm>>
      %dma_start3A_77 = tpu.memref_squeeze %dma_start3A_76 : memref<1x256xf32, #tpu.memory_space<hbm>> -> memref<256xf32, #tpu.memory_space<hbm>>
      tpu.enqueue_dma source(%dma_start3A_77 : memref<256xf32, #tpu.memory_space<hbm>>) target(%arg5 : memref<256xf32, #tpu.memory_space<vmem>>) target_semaphore(%run_scoped3A : memref<!tpu.dma_semaphore, #tpu.memory_space<semaphore_mem>>)
      %dma_wait3A = tpu.memref_slice %arg2[%add3A, %mul3A_38] : memref<4x2048xf32, #tpu.memory_space<hbm>> -> memref<1x256xf32, #tpu.memory_space<hbm>>
      %dma_wait3A_78 = tpu.memref_squeeze %dma_wait3A : memref<1x256xf32, #tpu.memory_space<hbm>> -> memref<256xf32, #tpu.memory_space<hbm>>
      %dma_wait3A_79 = tpu.memref_slice %arg2[%add3A, %mul3A_38] : memref<4x2048xf32, #tpu.memory_space<hbm>> -> memref<1x256xf32, #tpu.memory_space<hbm>>
      %dma_wait3A_80 = tpu.memref_squeeze %dma_wait3A_79 : memref<1x256xf32, #tpu.memory_space<hbm>> -> memref<256xf32, #tpu.memory_space<hbm>>
      tpu.wait_dma2 semaphore(%run_scoped3A : memref<!tpu.dma_semaphore, #tpu.memory_space<semaphore_mem>>) src(%dma_wait3A_80 : memref<256xf32, #tpu.memory_space<hbm>>) dst(%arg5 : memref<256xf32, #tpu.memory_space<vmem>>)
      tpu.yield
    }) : () -> ()
    %mul3A_39 = arith.constant 256 : i32
    %mul3A_40 = arith.muli %select_n3A_30, %mul3A_39 : i32
    %scan3A = arith.constant -3.000000e+38 : f32
    %scan3A_41 = arith.constant 0 : i32
    %scan3A_42 = arith.constant 20 : i32
    %scan3A_43 = arith.addi %scan3A_41, %scan3A_42 : i32
    %scan3A_44 = arith.constant 1 : i32
    %scan3A_45:4 = scf.for %scan3A_75 = %scan3A_41 to %scan3A_43 step %scan3A_44 iter_args(%scan3A_76 = %add3A_36, %scan3A_77 = %add3A_36, %scan3A_78 = %broadcast_in_dim3A_31, %scan3A_79 = %broadcast_in_dim3A_31) -> (vector<16xf32>, vector<16xf32>, vector<16xi32>, vector<16xi32>)  : i32 {
      %get3A = arith.constant 0 : index
      %get3A_80 = tpu.vector_load %arg5[%get3A] {strides = array<i32>} : memref<256xf32, #tpu.memory_space<vmem>>, vector<16xf32>,
      %get3A_81 = vector.shape_cast %get3A_80 : vector<16xf32> to vector<16xf32>
      %gt3A = arith.cmpf ogt, %get3A_81, %add3A_36 : vector<16xf32>
      %select_n3A_82 = arith.select %gt3A, %get3A_81, %add3A_36 : vector<16xi1>, vector<16xf32>
      %add3A_83 = arith.constant 0 : i32
      %add3A_84 = vector.broadcast %add3A_83 : i32 to vector<16xi32>
      %add3A_85 = arith.addi %broadcast_in_dim3A_31, %add3A_84 : vector<16xi32>
      %select_n3A_86 = arith.select %gt3A, %add3A_85, %broadcast_in_dim3A_31 : vector<16xi1>, vector<16xi32>
      %get3A_87 = arith.constant 16 : index
      %get3A_88 = tpu.vector_load %arg5[%get3A_87] {strides = array<i32>} : memref<256xf32, #tpu.memory_space<vmem>>, vector<16xf32>,
      %get3A_89 = vector.shape_cast %get3A_88 : vector<16xf32> to vector<16xf32>
      %gt3A_90 = arith.cmpf ogt, %get3A_89, %select_n3A_82 : vector<16xf32>
      %select_n3A_91 = arith.select %gt3A_90, %get3A_89, %select_n3A_82 : vector<16xi1>, vector<16xf32>
      %add3A_92 = arith.constant 1 : i32
      %add3A_93 = vector.broadcast %add3A_92 : i32 to vector<16xi32>
      %add3A_94 = arith.addi %broadcast_in_dim3A_31, %add3A_93 : vector<16xi32>
      %select_n3A_95 = arith.select %gt3A_90, %add3A_94, %select_n3A_86 : vector<16xi1>, vector<16xi32>
      %get3A_96 = arith.constant 32 : index
      %get3A_97 = tpu.vector_load %arg5[%get3A_96] {strides = array<i32>} : memref<256xf32, #tpu.memory_space<vmem>>, vector<16xf32>,
      %get3A_98 = vector.shape_cast %get3A_97 : vector<16xf32> to vector<16xf32>
      %gt3A_99 = arith.cmpf ogt, %get3A_98, %select_n3A_91 : vector<16xf32>
      %select_n3A_100 = arith.select %gt3A_99, %get3A_98, %select_n3A_91 : vector<16xi1>, vector<16xf32>
      %add3A_101 = arith.constant 2 : i32
      %add3A_102 = vector.broadcast %add3A_101 : i32 to vector<16xi32>
      %add3A_103 = arith.addi %broadcast_in_dim3A_31, %add3A_102 : vector<16xi32>
      %select_n3A_104 = arith.select %gt3A_99, %add3A_103, %select_n3A_95 : vector<16xi1>, vector<16xi32>
      %get3A_105 = arith.constant 48 : index
      %get3A_106 = tpu.vector_load %arg5[%get3A_105] {strides = array<i32>} : memref<256xf32, #tpu.memory_space<vmem>>, vector<16xf32>,
      %get3A_107 = vector.shape_cast %get3A_106 : vector<16xf32> to vector<16xf32>
      %gt3A_108 = arith.cmpf ogt, %get3A_107, %select_n3A_100 : vector<16xf32>
      %select_n3A_109 = arith.select %gt3A_108, %get3A_107, %select_n3A_100 : vector<16xi1>, vector<16xf32>
      %add3A_110 = arith.constant 3 : i32
      %add3A_111 = vector.broadcast %add3A_110 : i32 to vector<16xi32>
      %add3A_112 = arith.addi %broadcast_in_dim3A_31, %add3A_111 : vector<16xi32>
      %select_n3A_113 = arith.select %gt3A_108, %add3A_112, %select_n3A_104 : vector<16xi1>, vector<16xi32>
      %get3A_114 = arith.constant 64 : index
      %get3A_115 = tpu.vector_load %arg5[%get3A_114] {strides = array<i32>} : memref<256xf32, #tpu.memory_space<vmem>>, vector<16xf32>,
      %get3A_116 = vector.shape_cast %get3A_115 : vector<16xf32> to vector<16xf32>
      %gt3A_117 = arith.cmpf ogt, %get3A_116, %select_n3A_109 : vector<16xf32>
      %select_n3A_118 = arith.select %gt3A_117, %get3A_116, %select_n3A_109 : vector<16xi1>, vector<16xf32>
      %add3A_119 = arith.constant 4 : i32
      %add3A_120 = vector.broadcast %add3A_119 : i32 to vector<16xi32>
      %add3A_121 = arith.addi %broadcast_in_dim3A_31, %add3A_120 : vector<16xi32>
      %select_n3A_122 = arith.select %gt3A_117, %add3A_121, %select_n3A_113 : vector<16xi1>, vector<16xi32>
      %get3A_123 = arith.constant 80 : index
      %get3A_124 = tpu.vector_load %arg5[%get3A_123] {strides = array<i32>} : memref<256xf32, #tpu.memory_space<vmem>>, vector<16xf32>,
      %get3A_125 = vector.shape_cast %get3A_124 : vector<16xf32> to vector<16xf32>
      %gt3A_126 = arith.cmpf ogt, %get3A_125, %select_n3A_118 : vector<16xf32>
      %select_n3A_127 = arith.select %gt3A_126, %get3A_125, %select_n3A_118 : vector<16xi1>, vector<16xf32>
      %add3A_128 = arith.constant 5 : i32
      %add3A_129 = vector.broadcast %add3A_128 : i32 to vector<16xi32>
      %add3A_130 = arith.addi %broadcast_in_dim3A_31, %add3A_129 : vector<16xi32>
      %select_n3A_131 = arith.select %gt3A_126, %add3A_130, %select_n3A_122 : vector<16xi1>, vector<16xi32>
      %get3A_132 = arith.constant 96 : index
      %get3A_133 = tpu.vector_load %arg5[%get3A_132] {strides = array<i32>} : memref<256xf32, #tpu.memory_space<vmem>>, vector<16xf32>,
      %get3A_134 = vector.shape_cast %get3A_133 : vector<16xf32> to vector<16xf32>
      %gt3A_135 = arith.cmpf ogt, %get3A_134, %select_n3A_127 : vector<16xf32>
      %select_n3A_136 = arith.select %gt3A_135, %get3A_134, %select_n3A_127 : vector<16xi1>, vector<16xf32>
      %add3A_137 = arith.constant 6 : i32
      %add3A_138 = vector.broadcast %add3A_137 : i32 to vector<16xi32>
      %add3A_139 = arith.addi %broadcast_in_dim3A_31, %add3A_138 : vector<16xi32>
      %select_n3A_140 = arith.select %gt3A_135, %add3A_139, %select_n3A_131 : vector<16xi1>, vector<16xi32>
      %get3A_141 = arith.constant 112 : index
      %get3A_142 = tpu.vector_load %arg5[%get3A_141] {strides = array<i32>} : memref<256xf32, #tpu.memory_space<vmem>>, vector<16xf32>,
      %get3A_143 = vector.shape_cast %get3A_142 : vector<16xf32> to vector<16xf32>
      %gt3A_144 = arith.cmpf ogt, %get3A_143, %select_n3A_136 : vector<16xf32>
      %select_n3A_145 = arith.select %gt3A_144, %get3A_143, %select_n3A_136 : vector<16xi1>, vector<16xf32>
      %add3A_146 = arith.constant 7 : i32
      %add3A_147 = vector.broadcast %add3A_146 : i32 to vector<16xi32>
      %add3A_148 = arith.addi %broadcast_in_dim3A_31, %add3A_147 : vector<16xi32>
      %select_n3A_149 = arith.select %gt3A_144, %add3A_148, %select_n3A_140 : vector<16xi1>, vector<16xi32>
      %get3A_150 = arith.constant 128 : index
      %get3A_151 = tpu.vector_load %arg5[%get3A_150] {strides = array<i32>} : memref<256xf32, #tpu.memory_space<vmem>>, vector<16xf32>,
      %get3A_152 = vector.shape_cast %get3A_151 : vector<16xf32> to vector<16xf32>
      %gt3A_153 = arith.cmpf ogt, %get3A_152, %select_n3A_145 : vector<16xf32>
      %select_n3A_154 = arith.select %gt3A_153, %get3A_152, %select_n3A_145 : vector<16xi1>, vector<16xf32>
      %add3A_155 = arith.constant 8 : i32
      %add3A_156 = vector.broadcast %add3A_155 : i32 to vector<16xi32>
      %add3A_157 = arith.addi %broadcast_in_dim3A_31, %add3A_156 : vector<16xi32>
      %select_n3A_158 = arith.select %gt3A_153, %add3A_157, %select_n3A_149 : vector<16xi1>, vector<16xi32>
      %get3A_159 = arith.constant 144 : index
      %get3A_160 = tpu.vector_load %arg5[%get3A_159] {strides = array<i32>} : memref<256xf32, #tpu.memory_space<vmem>>, vector<16xf32>,
      %get3A_161 = vector.shape_cast %get3A_160 : vector<16xf32> to vector<16xf32>
      %gt3A_162 = arith.cmpf ogt, %get3A_161, %select_n3A_154 : vector<16xf32>
      %select_n3A_163 = arith.select %gt3A_162, %get3A_161, %select_n3A_154 : vector<16xi1>, vector<16xf32>
      %add3A_164 = arith.constant 9 : i32
      %add3A_165 = vector.broadcast %add3A_164 : i32 to vector<16xi32>
      %add3A_166 = arith.addi %broadcast_in_dim3A_31, %add3A_165 : vector<16xi32>
      %select_n3A_167 = arith.select %gt3A_162, %add3A_166, %select_n3A_158 : vector<16xi1>, vector<16xi32>
      %get3A_168 = arith.constant 160 : index
      %get3A_169 = tpu.vector_load %arg5[%get3A_168] {strides = array<i32>} : memref<256xf32, #tpu.memory_space<vmem>>, vector<16xf32>,
      %get3A_170 = vector.shape_cast %get3A_169 : vector<16xf32> to vector<16xf32>
      %gt3A_171 = arith.cmpf ogt, %get3A_170, %select_n3A_163 : vector<16xf32>
      %select_n3A_172 = arith.select %gt3A_171, %get3A_170, %select_n3A_163 : vector<16xi1>, vector<16xf32>
      %add3A_173 = arith.constant 10 : i32
      %add3A_174 = vector.broadcast %add3A_173 : i32 to vector<16xi32>
      %add3A_175 = arith.addi %broadcast_in_dim3A_31, %add3A_174 : vector<16xi32>
      %select_n3A_176 = arith.select %gt3A_171, %add3A_175, %select_n3A_167 : vector<16xi1>, vector<16xi32>
      %get3A_177 = arith.constant 176 : index
      %get3A_178 = tpu.vector_load %arg5[%get3A_177] {strides = array<i32>} : memref<256xf32, #tpu.memory_space<vmem>>, vector<16xf32>,
      %get3A_179 = vector.shape_cast %get3A_178 : vector<16xf32> to vector<16xf32>
      %gt3A_180 = arith.cmpf ogt, %get3A_179, %select_n3A_172 : vector<16xf32>
      %select_n3A_181 = arith.select %gt3A_180, %get3A_179, %select_n3A_172 : vector<16xi1>, vector<16xf32>
      %add3A_182 = arith.constant 11 : i32
      %add3A_183 = vector.broadcast %add3A_182 : i32 to vector<16xi32>
      %add3A_184 = arith.addi %broadcast_in_dim3A_31, %add3A_183 : vector<16xi32>
      %select_n3A_185 = arith.select %gt3A_180, %add3A_184, %select_n3A_176 : vector<16xi1>, vector<16xi32>
      %get3A_186 = arith.constant 192 : index
      %get3A_187 = tpu.vector_load %arg5[%get3A_186] {strides = array<i32>} : memref<256xf32, #tpu.memory_space<vmem>>, vector<16xf32>,
      %get3A_188 = vector.shape_cast %get3A_187 : vector<16xf32> to vector<16xf32>
      %gt3A_189 = arith.cmpf ogt, %get3A_188, %select_n3A_181 : vector<16xf32>
      %select_n3A_190 = arith.select %gt3A_189, %get3A_188, %select_n3A_181 : vector<16xi1>, vector<16xf32>
      %add3A_191 = arith.constant 12 : i32
      %add3A_192 = vector.broadcast %add3A_191 : i32 to vector<16xi32>
      %add3A_193 = arith.addi %broadcast_in_dim3A_31, %add3A_192 : vector<16xi32>
      %select_n3A_194 = arith.select %gt3A_189, %add3A_193, %select_n3A_185 : vector<16xi1>, vector<16xi32>
      %get3A_195 = arith.constant 208 : index
      %get3A_196 = tpu.vector_load %arg5[%get3A_195] {strides = array<i32>} : memref<256xf32, #tpu.memory_space<vmem>>, vector<16xf32>,
      %get3A_197 = vector.shape_cast %get3A_196 : vector<16xf32> to vector<16xf32>
      %gt3A_198 = arith.cmpf ogt, %get3A_197, %select_n3A_190 : vector<16xf32>
      %select_n3A_199 = arith.select %gt3A_198, %get3A_197, %select_n3A_190 : vector<16xi1>, vector<16xf32>
      %add3A_200 = arith.constant 13 : i32
      %add3A_201 = vector.broadcast %add3A_200 : i32 to vector<16xi32>
      %add3A_202 = arith.addi %broadcast_in_dim3A_31, %add3A_201 : vector<16xi32>
      %select_n3A_203 = arith.select %gt3A_198, %add3A_202, %select_n3A_194 : vector<16xi1>, vector<16xi32>
      %get3A_204 = arith.constant 224 : index
      %get3A_205 = tpu.vector_load %arg5[%get3A_204] {strides = array<i32>} : memref<256xf32, #tpu.memory_space<vmem>>, vector<16xf32>,
      %get3A_206 = vector.shape_cast %get3A_205 : vector<16xf32> to vector<16xf32>
      %gt3A_207 = arith.cmpf ogt, %get3A_206, %select_n3A_199 : vector<16xf32>
      %select_n3A_208 = arith.select %gt3A_207, %get3A_206, %select_n3A_199 : vector<16xi1>, vector<16xf32>
      %add3A_209 = arith.constant 14 : i32
      %add3A_210 = vector.broadcast %add3A_209 : i32 to vector<16xi32>
      %add3A_211 = arith.addi %broadcast_in_dim3A_31, %add3A_210 : vector<16xi32>
      %select_n3A_212 = arith.select %gt3A_207, %add3A_211, %select_n3A_203 : vector<16xi1>, vector<16xi32>
      %get3A_213 = arith.constant 240 : index
      %get3A_214 = tpu.vector_load %arg5[%get3A_213] {strides = array<i32>} : memref<256xf32, #tpu.memory_space<vmem>>, vector<16xf32>,
      %get3A_215 = vector.shape_cast %get3A_214 : vector<16xf32> to vector<16xf32>
      %gt3A_216 = arith.cmpf ogt, %get3A_215, %select_n3A_208 : vector<16xf32>
      %select_n3A_217 = arith.select %gt3A_216, %get3A_215, %select_n3A_208 : vector<16xi1>, vector<16xf32>
      %add3A_218 = arith.constant 15 : i32
      %add3A_219 = vector.broadcast %add3A_218 : i32 to vector<16xi32>
      %add3A_220 = arith.addi %broadcast_in_dim3A_31, %add3A_219 : vector<16xi32>
      %select_n3A_221 = arith.select %gt3A_216, %add3A_220, %select_n3A_212 : vector<16xi1>, vector<16xi32>
      %mul3A_222 = arith.constant 16 : i32
      %mul3A_223 = vector.broadcast %mul3A_222 : i32 to vector<16xi32>
      %mul3A_224 = arith.muli %select_n3A_221, %mul3A_223 : vector<16xi32>
      %add3A_225 = arith.addi %mul3A_224, %iota3A : vector<16xi32>
      %add3A_226 = vector.broadcast %mul3A_40 : i32 to vector<16xi32>
      %add3A_227 = arith.addi %add3A_225, %add3A_226 : vector<16xi32>
      %xor3A = arith.constant 8 : i32
      %xor3A_228 = vector.broadcast %xor3A : i32 to vector<16xi32>
      %xor3A_229 = arith.xori %iota3A, %xor3A_228 : vector<16xi32>
      %lt3A_230 = arith.constant 0 : i32
      %lt3A_231 = vector.broadcast %lt3A_230 : i32 to vector<16xi32>
      %lt3A_232 = arith.cmpi slt, %xor3A_229, %lt3A_231 : vector<16xi32>
      %add3A_233 = arith.constant 16 : i32
      %add3A_234 = vector.broadcast %add3A_233 : i32 to vector<16xi32>
      %add3A_235 = arith.addi %xor3A_229, %add3A_234 : vector<16xi32>
      %select_n3A_236 = arith.select %lt3A_232, %add3A_235, %xor3A_229 : vector<16xi1>, vector<16xi32>
      %broadcast_in_dim3A_237 = vector.shape_cast %select_n3A_236 : vector<16xi32> to vector<16x1xi32>
      %gather3A = vector.shape_cast %broadcast_in_dim3A_237 : vector<16x1xi32> to vector<16xi32>
      %gather3A_238 = tpu.dynamic_gather %select_n3A_217[%gather3A] in [0] : vector<16xf32>, vector<16xi32> -> vector<16xf32>
      %xor3A_239 = arith.constant 8 : i32
      %xor3A_240 = vector.broadcast %xor3A_239 : i32 to vector<16xi32>
      %xor3A_241 = arith.xori %iota3A, %xor3A_240 : vector<16xi32>
      %lt3A_242 = arith.constant 0 : i32
      %lt3A_243 = vector.broadcast %lt3A_242 : i32 to vector<16xi32>
      %lt3A_244 = arith.cmpi slt, %xor3A_241, %lt3A_243 : vector<16xi32>
      %add3A_245 = arith.constant 16 : i32
      %add3A_246 = vector.broadcast %add3A_245 : i32 to vector<16xi32>
      %add3A_247 = arith.addi %xor3A_241, %add3A_246 : vector<16xi32>
      %select_n3A_248 = arith.select %lt3A_244, %add3A_247, %xor3A_241 : vector<16xi1>, vector<16xi32>
      %broadcast_in_dim3A_249 = vector.shape_cast %select_n3A_248 : vector<16xi32> to vector<16x1xi32>
      %gather3A_250 = vector.shape_cast %broadcast_in_dim3A_249 : vector<16x1xi32> to vector<16xi32>
      %gather3A_251 = tpu.dynamic_gather %add3A_227[%gather3A_250] in [0] : vector<16xi32>, vector<16xi32> -> vector<16xi32>
      %gt3A_252 = arith.cmpf ogt, %gather3A_238, %select_n3A_217 : vector<16xf32>
      %eq3A_253 = arith.cmpf oeq, %gather3A_238, %select_n3A_217 : vector<16xf32>
      %lt3A_254 = arith.cmpi slt, %gather3A_251, %add3A_227 : vector<16xi32>
      %and3A_255 = arith.andi %eq3A_253, %lt3A_254 : vector<16xi1>
      %or3A = arith.ori %gt3A_252, %and3A_255 : vector<16xi1>
      %select_n3A_256 = arith.select %or3A, %gather3A_238, %select_n3A_217 : vector<16xi1>, vector<16xf32>
      %select_n3A_257 = arith.select %or3A, %gather3A_251, %add3A_227 : vector<16xi1>, vector<16xi32>
      %xor3A_258 = arith.constant 4 : i32
      %xor3A_259 = vector.broadcast %xor3A_258 : i32 to vector<16xi32>
      %xor3A_260 = arith.xori %iota3A, %xor3A_259 : vector<16xi32>
      %lt3A_261 = arith.constant 0 : i32
      %lt3A_262 = vector.broadcast %lt3A_261 : i32 to vector<16xi32>
      %lt3A_263 = arith.cmpi slt, %xor3A_260, %lt3A_262 : vector<16xi32>
      %add3A_264 = arith.constant 16 : i32
      %add3A_265 = vector.broadcast %add3A_264 : i32 to vector<16xi32>
      %add3A_266 = arith.addi %xor3A_260, %add3A_265 : vector<16xi32>
      %select_n3A_267 = arith.select %lt3A_263, %add3A_266, %xor3A_260 : vector<16xi1>, vector<16xi32>
      %broadcast_in_dim3A_268 = vector.shape_cast %select_n3A_267 : vector<16xi32> to vector<16x1xi32>
      %gather3A_269 = vector.shape_cast %broadcast_in_dim3A_268 : vector<16x1xi32> to vector<16xi32>
      %gather3A_270 = tpu.dynamic_gather %select_n3A_256[%gather3A_269] in [0] : vector<16xf32>, vector<16xi32> -> vector<16xf32>
      %xor3A_271 = arith.constant 4 : i32
      %xor3A_272 = vector.broadcast %xor3A_271 : i32 to vector<16xi32>
      %xor3A_273 = arith.xori %iota3A, %xor3A_272 : vector<16xi32>
      %lt3A_274 = arith.constant 0 : i32
      %lt3A_275 = vector.broadcast %lt3A_274 : i32 to vector<16xi32>
      %lt3A_276 = arith.cmpi slt, %xor3A_273, %lt3A_275 : vector<16xi32>
      %add3A_277 = arith.constant 16 : i32
      %add3A_278 = vector.broadcast %add3A_277 : i32 to vector<16xi32>
      %add3A_279 = arith.addi %xor3A_273, %add3A_278 : vector<16xi32>
      %select_n3A_280 = arith.select %lt3A_276, %add3A_279, %xor3A_273 : vector<16xi1>, vector<16xi32>
      %broadcast_in_dim3A_281 = vector.shape_cast %select_n3A_280 : vector<16xi32> to vector<16x1xi32>
      %gather3A_282 = vector.shape_cast %broadcast_in_dim3A_281 : vector<16x1xi32> to vector<16xi32>
      %gather3A_283 = tpu.dynamic_gather %select_n3A_257[%gather3A_282] in [0] : vector<16xi32>, vector<16xi32> -> vector<16xi32>
      %gt3A_284 = arith.cmpf ogt, %gather3A_270, %select_n3A_256 : vector<16xf32>
      %eq3A_285 = arith.cmpf oeq, %gather3A_270, %select_n3A_256 : vector<16xf32>
      %lt3A_286 = arith.cmpi slt, %gather3A_283, %select_n3A_257 : vector<16xi32>
      %and3A_287 = arith.andi %eq3A_285, %lt3A_286 : vector<16xi1>
      %or3A_288 = arith.ori %gt3A_284, %and3A_287 : vector<16xi1>
      %select_n3A_289 = arith.select %or3A_288, %gather3A_270, %select_n3A_256 : vector<16xi1>, vector<16xf32>
      %select_n3A_290 = arith.select %or3A_288, %gather3A_283, %select_n3A_257 : vector<16xi1>, vector<16xi32>
      %xor3A_291 = arith.constant 2 : i32
      %xor3A_292 = vector.broadcast %xor3A_291 : i32 to vector<16xi32>
      %xor3A_293 = arith.xori %iota3A, %xor3A_292 : vector<16xi32>
      %lt3A_294 = arith.constant 0 : i32
      %lt3A_295 = vector.broadcast %lt3A_294 : i32 to vector<16xi32>
      %lt3A_296 = arith.cmpi slt, %xor3A_293, %lt3A_295 : vector<16xi32>
      %add3A_297 = arith.constant 16 : i32
      %add3A_298 = vector.broadcast %add3A_297 : i32 to vector<16xi32>
      %add3A_299 = arith.addi %xor3A_293, %add3A_298 : vector<16xi32>
      %select_n3A_300 = arith.select %lt3A_296, %add3A_299, %xor3A_293 : vector<16xi1>, vector<16xi32>
      %broadcast_in_dim3A_301 = vector.shape_cast %select_n3A_300 : vector<16xi32> to vector<16x1xi32>
      %gather3A_302 = vector.shape_cast %broadcast_in_dim3A_301 : vector<16x1xi32> to vector<16xi32>
      %gather3A_303 = tpu.dynamic_gather %select_n3A_289[%gather3A_302] in [0] : vector<16xf32>, vector<16xi32> -> vector<16xf32>
      %xor3A_304 = arith.constant 2 : i32
      %xor3A_305 = vector.broadcast %xor3A_304 : i32 to vector<16xi32>
      %xor3A_306 = arith.xori %iota3A, %xor3A_305 : vector<16xi32>
      %lt3A_307 = arith.constant 0 : i32
      %lt3A_308 = vector.broadcast %lt3A_307 : i32 to vector<16xi32>
      %lt3A_309 = arith.cmpi slt, %xor3A_306, %lt3A_308 : vector<16xi32>
      %add3A_310 = arith.constant 16 : i32
      %add3A_311 = vector.broadcast %add3A_310 : i32 to vector<16xi32>
      %add3A_312 = arith.addi %xor3A_306, %add3A_311 : vector<16xi32>
      %select_n3A_313 = arith.select %lt3A_309, %add3A_312, %xor3A_306 : vector<16xi1>, vector<16xi32>
      %broadcast_in_dim3A_314 = vector.shape_cast %select_n3A_313 : vector<16xi32> to vector<16x1xi32>
      %gather3A_315 = vector.shape_cast %broadcast_in_dim3A_314 : vector<16x1xi32> to vector<16xi32>
      %gather3A_316 = tpu.dynamic_gather %select_n3A_290[%gather3A_315] in [0] : vector<16xi32>, vector<16xi32> -> vector<16xi32>
      %gt3A_317 = arith.cmpf ogt, %gather3A_303, %select_n3A_289 : vector<16xf32>
      %eq3A_318 = arith.cmpf oeq, %gather3A_303, %select_n3A_289 : vector<16xf32>
      %lt3A_319 = arith.cmpi slt, %gather3A_316, %select_n3A_290 : vector<16xi32>
      %and3A_320 = arith.andi %eq3A_318, %lt3A_319 : vector<16xi1>
      %or3A_321 = arith.ori %gt3A_317, %and3A_320 : vector<16xi1>
      %select_n3A_322 = arith.select %or3A_321, %gather3A_303, %select_n3A_289 : vector<16xi1>, vector<16xf32>
      %select_n3A_323 = arith.select %or3A_321, %gather3A_316, %select_n3A_290 : vector<16xi1>, vector<16xi32>
      %xor3A_324 = arith.constant 1 : i32
      %xor3A_325 = vector.broadcast %xor3A_324 : i32 to vector<16xi32>
      %xor3A_326 = arith.xori %iota3A, %xor3A_325 : vector<16xi32>
      %lt3A_327 = arith.constant 0 : i32
      %lt3A_328 = vector.broadcast %lt3A_327 : i32 to vector<16xi32>
      %lt3A_329 = arith.cmpi slt, %xor3A_326, %lt3A_328 : vector<16xi32>
      %add3A_330 = arith.constant 16 : i32
      %add3A_331 = vector.broadcast %add3A_330 : i32 to vector<16xi32>
      %add3A_332 = arith.addi %xor3A_326, %add3A_331 : vector<16xi32>
      %select_n3A_333 = arith.select %lt3A_329, %add3A_332, %xor3A_326 : vector<16xi1>, vector<16xi32>
      %broadcast_in_dim3A_334 = vector.shape_cast %select_n3A_333 : vector<16xi32> to vector<16x1xi32>
      %gather3A_335 = vector.shape_cast %broadcast_in_dim3A_334 : vector<16x1xi32> to vector<16xi32>
      %gather3A_336 = tpu.dynamic_gather %select_n3A_322[%gather3A_335] in [0] : vector<16xf32>, vector<16xi32> -> vector<16xf32>
      %xor3A_337 = arith.constant 1 : i32
      %xor3A_338 = vector.broadcast %xor3A_337 : i32 to vector<16xi32>
      %xor3A_339 = arith.xori %iota3A, %xor3A_338 : vector<16xi32>
      %lt3A_340 = arith.constant 0 : i32
      %lt3A_341 = vector.broadcast %lt3A_340 : i32 to vector<16xi32>
      %lt3A_342 = arith.cmpi slt, %xor3A_339, %lt3A_341 : vector<16xi32>
      %add3A_343 = arith.constant 16 : i32
      %add3A_344 = vector.broadcast %add3A_343 : i32 to vector<16xi32>
      %add3A_345 = arith.addi %xor3A_339, %add3A_344 : vector<16xi32>
      %select_n3A_346 = arith.select %lt3A_342, %add3A_345, %xor3A_339 : vector<16xi1>, vector<16xi32>
      %broadcast_in_dim3A_347 = vector.shape_cast %select_n3A_346 : vector<16xi32> to vector<16x1xi32>
      %gather3A_348 = vector.shape_cast %broadcast_in_dim3A_347 : vector<16x1xi32> to vector<16xi32>
      %gather3A_349 = tpu.dynamic_gather %select_n3A_323[%gather3A_348] in [0] : vector<16xi32>, vector<16xi32> -> vector<16xi32>
      %gt3A_350 = arith.cmpf ogt, %gather3A_336, %select_n3A_322 : vector<16xf32>
      %eq3A_351 = arith.cmpf oeq, %gather3A_336, %select_n3A_322 : vector<16xf32>
      %lt3A_352 = arith.cmpi slt, %gather3A_349, %select_n3A_323 : vector<16xi32>
      %and3A_353 = arith.andi %eq3A_351, %lt3A_352 : vector<16xi1>
      %or3A_354 = arith.ori %gt3A_350, %and3A_353 : vector<16xi1>
      %select_n3A_355 = arith.select %or3A_354, %gather3A_336, %select_n3A_322 : vector<16xi1>, vector<16xf32>
      %select_n3A_356 = arith.select %or3A_354, %gather3A_349, %select_n3A_323 : vector<16xi1>, vector<16xi32>
      %lt3A_357 = arith.constant 16 : i32
      %lt3A_358 = arith.cmpi slt, %scan3A_75, %lt3A_357 : i32
      %jit3A_359 = arith.constant 99 : i32
      %select_n3A_360 = arith.select %lt3A_358, %scan3A_75, %jit3A_359 : i32
      %eq3A_361 = vector.broadcast %select_n3A_360 : i32 to vector<16xi32>
      %eq3A_362 = arith.cmpi eq, %iota3A, %eq3A_361 : vector<16xi32>
      %ge3A = arith.constant 16 : i32
      %ge3A_363 = arith.cmpi sge, %scan3A_75, %ge3A : i32
      %sub3A_364 = arith.constant 16 : i32
      %sub3A_365 = arith.subi %scan3A_75, %sub3A_364 : i32
      %jit3A_366 = arith.constant 99 : i32
      %select_n3A_367 = arith.select %ge3A_363, %sub3A_365, %jit3A_366 : i32
      %eq3A_368 = vector.broadcast %select_n3A_367 : i32 to vector<16xi32>
      %eq3A_369 = arith.cmpi eq, %iota3A, %eq3A_368 : vector<16xi32>
      %select_n3A_370 = arith.select %eq3A_362, %select_n3A_355, %scan3A_76 : vector<16xi1>, vector<16xf32>
      %select_n3A_371 = arith.select %eq3A_362, %select_n3A_356, %scan3A_78 : vector<16xi1>, vector<16xi32>
      %select_n3A_372 = arith.select %eq3A_369, %select_n3A_355, %scan3A_77 : vector<16xi1>, vector<16xf32>
      %select_n3A_373 = arith.select %eq3A_369, %select_n3A_356, %scan3A_79 : vector<16xi1>, vector<16xi32>
      %slice3A = vector.extract_strided_slice %select_n3A_356 {offsets = [0], sizes = [1], strides = [1]} : vector<16xi32> to vector<1xi32>
      %squeeze3A = vector.extract %slice3A[0] : i32 from vector<1xi32>
      %sub3A_374 = arith.subi %squeeze3A, %mul3A_40 : i32
      %and3A_375 = arith.constant -16 : i32
      %and3A_376 = arith.andi %sub3A_374, %and3A_375 : i32
      %and3A_377 = arith.constant 15 : i32
      %and3A_378 = arith.andi %sub3A_374, %and3A_377 : i32
      %get3A_379 = arith.index_cast %and3A_376 : i32 to index
      %get3A_380 = tpu.vector_load %arg5[%get3A_379] {strides = array<i32>} : memref<256xf32, #tpu.memory_space<vmem>>, vector<16xf32>,
      %get3A_381 = vector.shape_cast %get3A_380 : vector<16xf32> to vector<16xf32>
      %eq3A_382 = vector.broadcast %and3A_378 : i32 to vector<16xi32>
      %eq3A_383 = arith.cmpi eq, %iota3A, %eq3A_382 : vector<16xi32>
      %broadcast_in_dim3A_384 = vector.broadcast %scan3A : f32 to vector<16xf32>
      %select_n3A_385 = arith.select %eq3A_383, %broadcast_in_dim3A_384, %get3A_381 : vector<16xi1>, vector<16xf32>
      %swap3A_386 = arith.index_cast %and3A_376 : i32 to index
      %swap3A_387 = tpu.vector_load %arg5[%swap3A_386] {strides = array<i32>} : memref<256xf32, #tpu.memory_space<vmem>>, vector<16xf32>,
      %swap3A_388 = vector.shape_cast %swap3A_387 : vector<16xf32> to vector<16xf32>
      %swap3A_389 = vector.shape_cast %select_n3A_385 : vector<16xf32> to vector<16xf32>
      tpu.vector_store %arg5[%swap3A_386], %swap3A_389 {strides = array<i32>} : memref<256xf32, #tpu.memory_space<vmem>>, vector<16xf32>,
      scf.yield %select_n3A_370, %select_n3A_372, %select_n3A_371, %select_n3A_373 : vector<16xf32>, vector<16xf32>, vector<16xi32>, vector<16xi32>
    }
    %scan3A_46 = arith.constant 20 : i32
    %swap3A = arith.constant 0 : index
    %swap3A_47 = tpu.vector_load %arg8[%swap3A] {strides = array<i32>} : memref<32xf32, #tpu.memory_space<vmem>>, vector<16xf32>,
    %swap3A_48 = vector.shape_cast %swap3A_47 : vector<16xf32> to vector<16xf32>
    %swap3A_49 = vector.shape_cast %scan3A_45#0 : vector<16xf32> to vector<16xf32>
    tpu.vector_store %arg8[%swap3A], %swap3A_49 {strides = array<i32>} : memref<32xf32, #tpu.memory_space<vmem>>, vector<16xf32>,
    %swap3A_50 = arith.constant 16 : index
    %swap3A_51 = tpu.vector_load %arg8[%swap3A_50] {strides = array<i32>} : memref<32xf32, #tpu.memory_space<vmem>>, vector<16xf32>,
    %swap3A_52 = vector.shape_cast %swap3A_51 : vector<16xf32> to vector<16xf32>
    %swap3A_53 = vector.shape_cast %scan3A_45#1 : vector<16xf32> to vector<16xf32>
    tpu.vector_store %arg8[%swap3A_50], %swap3A_53 {strides = array<i32>} : memref<32xf32, #tpu.memory_space<vmem>>, vector<16xf32>,
    %swap3A_54 = arith.constant 0 : index
    %swap3A_55 = tpu.vector_load %arg9[%swap3A_54] {strides = array<i32>} : memref<32xi32, #tpu.memory_space<vmem>>, vector<16xi32>,
    %swap3A_56 = vector.shape_cast %swap3A_55 : vector<16xi32> to vector<16xi32>
    %swap3A_57 = vector.shape_cast %scan3A_45#2 : vector<16xi32> to vector<16xi32>
    tpu.vector_store %arg9[%swap3A_54], %swap3A_57 {strides = array<i32>} : memref<32xi32, #tpu.memory_space<vmem>>, vector<16xi32>,
    %swap3A_58 = arith.constant 16 : index
    %swap3A_59 = tpu.vector_load %arg9[%swap3A_58] {strides = array<i32>} : memref<32xi32, #tpu.memory_space<vmem>>, vector<16xi32>,
    %swap3A_60 = vector.shape_cast %swap3A_59 : vector<16xi32> to vector<16xi32>
    %swap3A_61 = vector.shape_cast %scan3A_45#3 : vector<16xi32> to vector<16xi32>
    tpu.vector_store %arg9[%swap3A_58], %swap3A_61 {strides = array<i32>} : memref<32xi32, #tpu.memory_space<vmem>>, vector<16xi32>,
    %mul3A_62 = arith.constant 32 : i32
    %mul3A_63 = arith.muli %select_n3A_30, %mul3A_62 : i32
    "tpu.region"() ({
      %run_scoped3A = tpu.sem_alloc : memref<!tpu.dma_semaphore, #tpu.memory_space<semaphore_mem>>
      %dma_start3A = tpu.memref_slice %arg13[%select_n3A, %mul3A_63] : memref<2x256xf32, #tpu.memory_space<vmem_shared>> -> memref<1x32xf32, #tpu.memory_space<vmem_shared>>
      %dma_start3A_75 = tpu.memref_squeeze %dma_start3A : memref<1x32xf32, #tpu.memory_space<vmem_shared>> -> memref<32xf32, #tpu.memory_space<vmem_shared>>
      %dma_start3A_76 = tpu.memref_slice %arg13[%select_n3A, %mul3A_63] : memref<2x256xf32, #tpu.memory_space<vmem_shared>> -> memref<1x32xf32, #tpu.memory_space<vmem_shared>>
      %dma_start3A_77 = tpu.memref_squeeze %dma_start3A_76 : memref<1x32xf32, #tpu.memory_space<vmem_shared>> -> memref<32xf32, #tpu.memory_space<vmem_shared>>
      tpu.enqueue_dma source(%arg8 : memref<32xf32, #tpu.memory_space<vmem>>) target(%dma_start3A_77 : memref<32xf32, #tpu.memory_space<vmem_shared>>) target_semaphore(%run_scoped3A : memref<!tpu.dma_semaphore, #tpu.memory_space<semaphore_mem>>)
      %dma_wait3A = tpu.memref_slice %arg13[%select_n3A, %mul3A_63] : memref<2x256xf32, #tpu.memory_space<vmem_shared>> -> memref<1x32xf32, #tpu.memory_space<vmem_shared>>
      %dma_wait3A_78 = tpu.memref_squeeze %dma_wait3A : memref<1x32xf32, #tpu.memory_space<vmem_shared>> -> memref<32xf32, #tpu.memory_space<vmem_shared>>
      %dma_wait3A_79 = tpu.memref_slice %arg13[%select_n3A, %mul3A_63] : memref<2x256xf32, #tpu.memory_space<vmem_shared>> -> memref<1x32xf32, #tpu.memory_space<vmem_shared>>
      %dma_wait3A_80 = tpu.memref_squeeze %dma_wait3A_79 : memref<1x32xf32, #tpu.memory_space<vmem_shared>> -> memref<32xf32, #tpu.memory_space<vmem_shared>>
      tpu.wait_dma2 semaphore(%run_scoped3A : memref<!tpu.dma_semaphore, #tpu.memory_space<semaphore_mem>>) src(%arg8 : memref<32xf32, #tpu.memory_space<vmem>>) dst(%dma_wait3A_80 : memref<32xf32, #tpu.memory_space<vmem_shared>>)
      tpu.yield
    }) : () -> ()
    %mul3A_64 = arith.constant 32 : i32
    %mul3A_65 = arith.muli %select_n3A_30, %mul3A_64 : i32
    "tpu.region"() ({
      %run_scoped3A = tpu.sem_alloc : memref<!tpu.dma_semaphore, #tpu.memory_space<semaphore_mem>>
      %dma_start3A = tpu.memref_slice %arg14[%select_n3A, %mul3A_65] : memref<2x256xi32, #tpu.memory_space<vmem_shared>> -> memref<1x32xi32, #tpu.memory_space<vmem_shared>>
      %dma_start3A_75 = tpu.memref_squeeze %dma_start3A : memref<1x32xi32, #tpu.memory_space<vmem_shared>> -> memref<32xi32, #tpu.memory_space<vmem_shared>>
      %dma_start3A_76 = tpu.memref_slice %arg14[%select_n3A, %mul3A_65] : memref<2x256xi32, #tpu.memory_space<vmem_shared>> -> memref<1x32xi32, #tpu.memory_space<vmem_shared>>
      %dma_start3A_77 = tpu.memref_squeeze %dma_start3A_76 : memref<1x32xi32, #tpu.memory_space<vmem_shared>> -> memref<32xi32, #tpu.memory_space<vmem_shared>>
      tpu.enqueue_dma source(%arg9 : memref<32xi32, #tpu.memory_space<vmem>>) target(%dma_start3A_77 : memref<32xi32, #tpu.memory_space<vmem_shared>>) target_semaphore(%run_scoped3A : memref<!tpu.dma_semaphore, #tpu.memory_space<semaphore_mem>>)
      %dma_wait3A = tpu.memref_slice %arg14[%select_n3A, %mul3A_65] : memref<2x256xi32, #tpu.memory_space<vmem_shared>> -> memref<1x32xi32, #tpu.memory_space<vmem_shared>>
      %dma_wait3A_78 = tpu.memref_squeeze %dma_wait3A : memref<1x32xi32, #tpu.memory_space<vmem_shared>> -> memref<32xi32, #tpu.memory_space<vmem_shared>>
      %dma_wait3A_79 = tpu.memref_slice %arg14[%select_n3A, %mul3A_65] : memref<2x256xi32, #tpu.memory_space<vmem_shared>> -> memref<1x32xi32, #tpu.memory_space<vmem_shared>>
      %dma_wait3A_80 = tpu.memref_squeeze %dma_wait3A_79 : memref<1x32xi32, #tpu.memory_space<vmem_shared>> -> memref<32xi32, #tpu.memory_space<vmem_shared>>
      tpu.wait_dma2 semaphore(%run_scoped3A : memref<!tpu.dma_semaphore, #tpu.memory_space<semaphore_mem>>) src(%arg9 : memref<32xi32, #tpu.memory_space<vmem>>) dst(%dma_wait3A_80 : memref<32xi32, #tpu.memory_space<vmem_shared>>)
      tpu.yield
    }) : () -> ()
    %barrier3A = arith.constant 0 : index
    tpu.barrier barrier_id(%barrier3A)
    %eq3A_66 = arith.constant 0 : i32
    %eq3A_67 = arith.cmpi eq, %select_n3A_30, %eq3A_66 : i32
    %convert_element_type3A = arith.extui %eq3A_67 : i1 to i32
    %cond3A = arith.constant 0 : i32
    %cond3A_68 = arith.cmpi ne, %convert_element_type3A, %cond3A : i32
    scf.if %cond3A_68 {
      "tpu.region"() ({
        %run_scoped3A = tpu.sem_alloc : memref<!tpu.dma_semaphore, #tpu.memory_space<semaphore_mem>>
        %dma_start3A = arith.constant 0 : i32
        %dma_start3A_284 = tpu.memref_slice %arg13[%select_n3A, %dma_start3A] : memref<2x256xf32, #tpu.memory_space<vmem_shared>> -> memref<1x256xf32, #tpu.memory_space<vmem_shared>>
        %dma_start3A_285 = tpu.memref_squeeze %dma_start3A_284 : memref<1x256xf32, #tpu.memory_space<vmem_shared>> -> memref<256xf32, #tpu.memory_space<vmem_shared>>
        %dma_start3A_286 = arith.constant 0 : i32
        %dma_start3A_287 = tpu.memref_slice %arg13[%select_n3A, %dma_start3A_286] : memref<2x256xf32, #tpu.memory_space<vmem_shared>> -> memref<1x256xf32, #tpu.memory_space<vmem_shared>>
        %dma_start3A_288 = tpu.memref_squeeze %dma_start3A_287 : memref<1x256xf32, #tpu.memory_space<vmem_shared>> -> memref<256xf32, #tpu.memory_space<vmem_shared>>
        tpu.enqueue_dma source(%dma_start3A_288 : memref<256xf32, #tpu.memory_space<vmem_shared>>) target(%arg6 : memref<256xf32, #tpu.memory_space<vmem>>) target_semaphore(%run_scoped3A : memref<!tpu.dma_semaphore, #tpu.memory_space<semaphore_mem>>)
        %dma_wait3A = arith.constant 0 : i32
        %dma_wait3A_289 = tpu.memref_slice %arg13[%select_n3A, %dma_wait3A] : memref<2x256xf32, #tpu.memory_space<vmem_shared>> -> memref<1x256xf32, #tpu.memory_space<vmem_shared>>
        %dma_wait3A_290 = tpu.memref_squeeze %dma_wait3A_289 : memref<1x256xf32, #tpu.memory_space<vmem_shared>> -> memref<256xf32, #tpu.memory_space<vmem_shared>>
        %dma_wait3A_291 = arith.constant 0 : i32
        %dma_wait3A_292 = tpu.memref_slice %arg13[%select_n3A, %dma_wait3A_291] : memref<2x256xf32, #tpu.memory_space<vmem_shared>> -> memref<1x256xf32, #tpu.memory_space<vmem_shared>>
        %dma_wait3A_293 = tpu.memref_squeeze %dma_wait3A_292 : memref<1x256xf32, #tpu.memory_space<vmem_shared>> -> memref<256xf32, #tpu.memory_space<vmem_shared>>
        tpu.wait_dma2 semaphore(%run_scoped3A : memref<!tpu.dma_semaphore, #tpu.memory_space<semaphore_mem>>) src(%dma_wait3A_293 : memref<256xf32, #tpu.memory_space<vmem_shared>>) dst(%arg6 : memref<256xf32, #tpu.memory_space<vmem>>)
        tpu.yield
      }) : () -> ()
      "tpu.region"() ({
        %run_scoped3A = tpu.sem_alloc : memref<!tpu.dma_semaphore, #tpu.memory_space<semaphore_mem>>
        %dma_start3A = arith.constant 0 : i32
        %dma_start3A_284 = tpu.memref_slice %arg14[%select_n3A, %dma_start3A] : memref<2x256xi32, #tpu.memory_space<vmem_shared>> -> memref<1x256xi32, #tpu.memory_space<vmem_shared>>
        %dma_start3A_285 = tpu.memref_squeeze %dma_start3A_284 : memref<1x256xi32, #tpu.memory_space<vmem_shared>> -> memref<256xi32, #tpu.memory_space<vmem_shared>>
        %dma_start3A_286 = arith.constant 0 : i32
        %dma_start3A_287 = tpu.memref_slice %arg14[%select_n3A, %dma_start3A_286] : memref<2x256xi32, #tpu.memory_space<vmem_shared>> -> memref<1x256xi32, #tpu.memory_space<vmem_shared>>
        %dma_start3A_288 = tpu.memref_squeeze %dma_start3A_287 : memref<1x256xi32, #tpu.memory_space<vmem_shared>> -> memref<256xi32, #tpu.memory_space<vmem_shared>>
        tpu.enqueue_dma source(%dma_start3A_288 : memref<256xi32, #tpu.memory_space<vmem_shared>>) target(%arg7 : memref<256xi32, #tpu.memory_space<vmem>>) target_semaphore(%run_scoped3A : memref<!tpu.dma_semaphore, #tpu.memory_space<semaphore_mem>>)
        %dma_wait3A = arith.constant 0 : i32
        %dma_wait3A_289 = tpu.memref_slice %arg14[%select_n3A, %dma_wait3A] : memref<2x256xi32, #tpu.memory_space<vmem_shared>> -> memref<1x256xi32, #tpu.memory_space<vmem_shared>>
        %dma_wait3A_290 = tpu.memref_squeeze %dma_wait3A_289 : memref<1x256xi32, #tpu.memory_space<vmem_shared>> -> memref<256xi32, #tpu.memory_space<vmem_shared>>
        %dma_wait3A_291 = arith.constant 0 : i32
        %dma_wait3A_292 = tpu.memref_slice %arg14[%select_n3A, %dma_wait3A_291] : memref<2x256xi32, #tpu.memory_space<vmem_shared>> -> memref<1x256xi32, #tpu.memory_space<vmem_shared>>
        %dma_wait3A_293 = tpu.memref_squeeze %dma_wait3A_292 : memref<1x256xi32, #tpu.memory_space<vmem_shared>> -> memref<256xi32, #tpu.memory_space<vmem_shared>>
        tpu.wait_dma2 semaphore(%run_scoped3A : memref<!tpu.dma_semaphore, #tpu.memory_space<semaphore_mem>>) src(%dma_wait3A_293 : memref<256xi32, #tpu.memory_space<vmem_shared>>) dst(%arg7 : memref<256xi32, #tpu.memory_space<vmem>>)
        tpu.yield
      }) : () -> ()
      %mul3A_75 = arith.constant 2048 : i32
      %mul3A_76 = arith.muli %add3A, %mul3A_75 : i32
      %eq3A_77 = arith.constant 0 : i32
      %eq3A_78 = vector.broadcast %eq3A_77 : i32 to vector<16xi32>
      %eq3A_79 = arith.cmpi eq, %iota3A, %eq3A_78 : vector<16xi32>
      %get3A = arith.constant 0 : index
      %get3A_80 = tpu.vector_load %arg6[%get3A] {strides = array<i32>} : memref<256xf32, #tpu.memory_space<vmem>>, vector<16xf32>,
      %get3A_81 = vector.shape_cast %get3A_80 : vector<16xf32> to vector<16xf32>
      %slice3A = vector.extract_strided_slice %get3A_81 {offsets = [0], sizes = [1], strides = [1]} : vector<16xf32> to vector<1xf32>
      %squeeze3A = vector.extract %slice3A[0] : f32 from vector<1xf32>
      %broadcast_in_dim3A_82 = vector.broadcast %squeeze3A : f32 to vector<16xf32>
      %select_n3A_83 = arith.select %eq3A_79, %broadcast_in_dim3A_82, %add3A_36 : vector<16xi1>, vector<16xf32>
      %eq3A_84 = arith.constant 0 : i32
      %eq3A_85 = vector.broadcast %eq3A_84 : i32 to vector<16xi32>
      %eq3A_86 = arith.cmpi eq, %iota3A, %eq3A_85 : vector<16xi32>
      %get3A_87 = arith.constant 0 : index
      %get3A_88 = tpu.vector_load %arg7[%get3A_87] {strides = array<i32>} : memref<256xi32, #tpu.memory_space<vmem>>, vector<16xi32>,
      %get3A_89 = vector.shape_cast %get3A_88 : vector<16xi32> to vector<16xi32>
      %slice3A_90 = vector.extract_strided_slice %get3A_89 {offsets = [0], sizes = [1], strides = [1]} : vector<16xi32> to vector<1xi32>
      %squeeze3A_91 = vector.extract %slice3A_90[0] : i32 from vector<1xi32>
      %broadcast_in_dim3A_92 = vector.broadcast %squeeze3A_91 : i32 to vector<16xi32>
      %select_n3A_93 = arith.select %eq3A_86, %broadcast_in_dim3A_92, %broadcast_in_dim3A_31 : vector<16xi1>, vector<16xi32>
      %swap3A_94 = arith.constant 1 : i32
      %swap3A_95 = arith.constant 0 : i32
      %swap3A_96 = arith.index_cast %swap3A_95 : i32 to index
      %swap3A_97 = memref.load %arg15[%swap3A_96] : memref<8xi32, #tpu.memory_space<smem>>
      memref.store %swap3A_94, %arg15[%swap3A_96] : memref<8xi32, #tpu.memory_space<smem>>
      %eq3A_98 = arith.constant 1 : i32
      %eq3A_99 = vector.broadcast %eq3A_98 : i32 to vector<16xi32>
      %eq3A_100 = arith.cmpi eq, %iota3A, %eq3A_99 : vector<16xi32>
      %get3A_101 = arith.constant 32 : index
      %get3A_102 = tpu.vector_load %arg6[%get3A_101] {strides = array<i32>} : memref<256xf32, #tpu.memory_space<vmem>>, vector<16xf32>,
      %get3A_103 = vector.shape_cast %get3A_102 : vector<16xf32> to vector<16xf32>
      %slice3A_104 = vector.extract_strided_slice %get3A_103 {offsets = [0], sizes = [1], strides = [1]} : vector<16xf32> to vector<1xf32>
      %squeeze3A_105 = vector.extract %slice3A_104[0] : f32 from vector<1xf32>
      %broadcast_in_dim3A_106 = vector.broadcast %squeeze3A_105 : f32 to vector<16xf32>
      %select_n3A_107 = arith.select %eq3A_100, %broadcast_in_dim3A_106, %select_n3A_83 : vector<16xi1>, vector<16xf32>
      %eq3A_108 = arith.constant 1 : i32
      %eq3A_109 = vector.broadcast %eq3A_108 : i32 to vector<16xi32>
      %eq3A_110 = arith.cmpi eq, %iota3A, %eq3A_109 : vector<16xi32>
      %get3A_111 = arith.constant 32 : index
      %get3A_112 = tpu.vector_load %arg7[%get3A_111] {strides = array<i32>} : memref<256xi32, #tpu.memory_space<vmem>>, vector<16xi32>,
      %get3A_113 = vector.shape_cast %get3A_112 : vector<16xi32> to vector<16xi32>
      %slice3A_114 = vector.extract_strided_slice %get3A_113 {offsets = [0], sizes = [1], strides = [1]} : vector<16xi32> to vector<1xi32>
      %squeeze3A_115 = vector.extract %slice3A_114[0] : i32 from vector<1xi32>
      %broadcast_in_dim3A_116 = vector.broadcast %squeeze3A_115 : i32 to vector<16xi32>
      %select_n3A_117 = arith.select %eq3A_110, %broadcast_in_dim3A_116, %select_n3A_93 : vector<16xi1>, vector<16xi32>
      %swap3A_118 = arith.constant 1 : i32
      %swap3A_119 = arith.constant 1 : i32
      %swap3A_120 = arith.index_cast %swap3A_119 : i32 to index
      %swap3A_121 = memref.load %arg15[%swap3A_120] : memref<8xi32, #tpu.memory_space<smem>>
      memref.store %swap3A_118, %arg15[%swap3A_120] : memref<8xi32, #tpu.memory_space<smem>>
      %eq3A_122 = arith.constant 2 : i32
      %eq3A_123 = vector.broadcast %eq3A_122 : i32 to vector<16xi32>
      %eq3A_124 = arith.cmpi eq, %iota3A, %eq3A_123 : vector<16xi32>
      %get3A_125 = arith.constant 64 : index
      %get3A_126 = tpu.vector_load %arg6[%get3A_125] {strides = array<i32>} : memref<256xf32, #tpu.memory_space<vmem>>, vector<16xf32>,
      %get3A_127 = vector.shape_cast %get3A_126 : vector<16xf32> to vector<16xf32>
      %slice3A_128 = vector.extract_strided_slice %get3A_127 {offsets = [0], sizes = [1], strides = [1]} : vector<16xf32> to vector<1xf32>
      %squeeze3A_129 = vector.extract %slice3A_128[0] : f32 from vector<1xf32>
      %broadcast_in_dim3A_130 = vector.broadcast %squeeze3A_129 : f32 to vector<16xf32>
      %select_n3A_131 = arith.select %eq3A_124, %broadcast_in_dim3A_130, %select_n3A_107 : vector<16xi1>, vector<16xf32>
      %eq3A_132 = arith.constant 2 : i32
      %eq3A_133 = vector.broadcast %eq3A_132 : i32 to vector<16xi32>
      %eq3A_134 = arith.cmpi eq, %iota3A, %eq3A_133 : vector<16xi32>
      %get3A_135 = arith.constant 64 : index
      %get3A_136 = tpu.vector_load %arg7[%get3A_135] {strides = array<i32>} : memref<256xi32, #tpu.memory_space<vmem>>, vector<16xi32>,
      %get3A_137 = vector.shape_cast %get3A_136 : vector<16xi32> to vector<16xi32>
      %slice3A_138 = vector.extract_strided_slice %get3A_137 {offsets = [0], sizes = [1], strides = [1]} : vector<16xi32> to vector<1xi32>
      %squeeze3A_139 = vector.extract %slice3A_138[0] : i32 from vector<1xi32>
      %broadcast_in_dim3A_140 = vector.broadcast %squeeze3A_139 : i32 to vector<16xi32>
      %select_n3A_141 = arith.select %eq3A_134, %broadcast_in_dim3A_140, %select_n3A_117 : vector<16xi1>, vector<16xi32>
      %swap3A_142 = arith.constant 1 : i32
      %swap3A_143 = arith.constant 2 : i32
      %swap3A_144 = arith.index_cast %swap3A_143 : i32 to index
      %swap3A_145 = memref.load %arg15[%swap3A_144] : memref<8xi32, #tpu.memory_space<smem>>
      memref.store %swap3A_142, %arg15[%swap3A_144] : memref<8xi32, #tpu.memory_space<smem>>
      %eq3A_146 = arith.constant 3 : i32
      %eq3A_147 = vector.broadcast %eq3A_146 : i32 to vector<16xi32>
      %eq3A_148 = arith.cmpi eq, %iota3A, %eq3A_147 : vector<16xi32>
      %get3A_149 = arith.constant 96 : index
      %get3A_150 = tpu.vector_load %arg6[%get3A_149] {strides = array<i32>} : memref<256xf32, #tpu.memory_space<vmem>>, vector<16xf32>,
      %get3A_151 = vector.shape_cast %get3A_150 : vector<16xf32> to vector<16xf32>
      %slice3A_152 = vector.extract_strided_slice %get3A_151 {offsets = [0], sizes = [1], strides = [1]} : vector<16xf32> to vector<1xf32>
      %squeeze3A_153 = vector.extract %slice3A_152[0] : f32 from vector<1xf32>
      %broadcast_in_dim3A_154 = vector.broadcast %squeeze3A_153 : f32 to vector<16xf32>
      %select_n3A_155 = arith.select %eq3A_148, %broadcast_in_dim3A_154, %select_n3A_131 : vector<16xi1>, vector<16xf32>
      %eq3A_156 = arith.constant 3 : i32
      %eq3A_157 = vector.broadcast %eq3A_156 : i32 to vector<16xi32>
      %eq3A_158 = arith.cmpi eq, %iota3A, %eq3A_157 : vector<16xi32>
      %get3A_159 = arith.constant 96 : index
      %get3A_160 = tpu.vector_load %arg7[%get3A_159] {strides = array<i32>} : memref<256xi32, #tpu.memory_space<vmem>>, vector<16xi32>,
      %get3A_161 = vector.shape_cast %get3A_160 : vector<16xi32> to vector<16xi32>
      %slice3A_162 = vector.extract_strided_slice %get3A_161 {offsets = [0], sizes = [1], strides = [1]} : vector<16xi32> to vector<1xi32>
      %squeeze3A_163 = vector.extract %slice3A_162[0] : i32 from vector<1xi32>
      %broadcast_in_dim3A_164 = vector.broadcast %squeeze3A_163 : i32 to vector<16xi32>
      %select_n3A_165 = arith.select %eq3A_158, %broadcast_in_dim3A_164, %select_n3A_141 : vector<16xi1>, vector<16xi32>
      %swap3A_166 = arith.constant 1 : i32
      %swap3A_167 = arith.constant 3 : i32
      %swap3A_168 = arith.index_cast %swap3A_167 : i32 to index
      %swap3A_169 = memref.load %arg15[%swap3A_168] : memref<8xi32, #tpu.memory_space<smem>>
      memref.store %swap3A_166, %arg15[%swap3A_168] : memref<8xi32, #tpu.memory_space<smem>>
      %eq3A_170 = arith.constant 4 : i32
      %eq3A_171 = vector.broadcast %eq3A_170 : i32 to vector<16xi32>
      %eq3A_172 = arith.cmpi eq, %iota3A, %eq3A_171 : vector<16xi32>
      %get3A_173 = arith.constant 128 : index
      %get3A_174 = tpu.vector_load %arg6[%get3A_173] {strides = array<i32>} : memref<256xf32, #tpu.memory_space<vmem>>, vector<16xf32>,
      %get3A_175 = vector.shape_cast %get3A_174 : vector<16xf32> to vector<16xf32>
      %slice3A_176 = vector.extract_strided_slice %get3A_175 {offsets = [0], sizes = [1], strides = [1]} : vector<16xf32> to vector<1xf32>
      %squeeze3A_177 = vector.extract %slice3A_176[0] : f32 from vector<1xf32>
      %broadcast_in_dim3A_178 = vector.broadcast %squeeze3A_177 : f32 to vector<16xf32>
      %select_n3A_179 = arith.select %eq3A_172, %broadcast_in_dim3A_178, %select_n3A_155 : vector<16xi1>, vector<16xf32>
      %eq3A_180 = arith.constant 4 : i32
      %eq3A_181 = vector.broadcast %eq3A_180 : i32 to vector<16xi32>
      %eq3A_182 = arith.cmpi eq, %iota3A, %eq3A_181 : vector<16xi32>
      %get3A_183 = arith.constant 128 : index
      %get3A_184 = tpu.vector_load %arg7[%get3A_183] {strides = array<i32>} : memref<256xi32, #tpu.memory_space<vmem>>, vector<16xi32>,
      %get3A_185 = vector.shape_cast %get3A_184 : vector<16xi32> to vector<16xi32>
      %slice3A_186 = vector.extract_strided_slice %get3A_185 {offsets = [0], sizes = [1], strides = [1]} : vector<16xi32> to vector<1xi32>
      %squeeze3A_187 = vector.extract %slice3A_186[0] : i32 from vector<1xi32>
      %broadcast_in_dim3A_188 = vector.broadcast %squeeze3A_187 : i32 to vector<16xi32>
      %select_n3A_189 = arith.select %eq3A_182, %broadcast_in_dim3A_188, %select_n3A_165 : vector<16xi1>, vector<16xi32>
      %swap3A_190 = arith.constant 1 : i32
      %swap3A_191 = arith.constant 4 : i32
      %swap3A_192 = arith.index_cast %swap3A_191 : i32 to index
      %swap3A_193 = memref.load %arg15[%swap3A_192] : memref<8xi32, #tpu.memory_space<smem>>
      memref.store %swap3A_190, %arg15[%swap3A_192] : memref<8xi32, #tpu.memory_space<smem>>
      %eq3A_194 = arith.constant 5 : i32
      %eq3A_195 = vector.broadcast %eq3A_194 : i32 to vector<16xi32>
      %eq3A_196 = arith.cmpi eq, %iota3A, %eq3A_195 : vector<16xi32>
      %get3A_197 = arith.constant 160 : index
      %get3A_198 = tpu.vector_load %arg6[%get3A_197] {strides = array<i32>} : memref<256xf32, #tpu.memory_space<vmem>>, vector<16xf32>,
      %get3A_199 = vector.shape_cast %get3A_198 : vector<16xf32> to vector<16xf32>
      %slice3A_200 = vector.extract_strided_slice %get3A_199 {offsets = [0], sizes = [1], strides = [1]} : vector<16xf32> to vector<1xf32>
      %squeeze3A_201 = vector.extract %slice3A_200[0] : f32 from vector<1xf32>
      %broadcast_in_dim3A_202 = vector.broadcast %squeeze3A_201 : f32 to vector<16xf32>
      %select_n3A_203 = arith.select %eq3A_196, %broadcast_in_dim3A_202, %select_n3A_179 : vector<16xi1>, vector<16xf32>
      %eq3A_204 = arith.constant 5 : i32
      %eq3A_205 = vector.broadcast %eq3A_204 : i32 to vector<16xi32>
      %eq3A_206 = arith.cmpi eq, %iota3A, %eq3A_205 : vector<16xi32>
      %get3A_207 = arith.constant 160 : index
      %get3A_208 = tpu.vector_load %arg7[%get3A_207] {strides = array<i32>} : memref<256xi32, #tpu.memory_space<vmem>>, vector<16xi32>,
      %get3A_209 = vector.shape_cast %get3A_208 : vector<16xi32> to vector<16xi32>
      %slice3A_210 = vector.extract_strided_slice %get3A_209 {offsets = [0], sizes = [1], strides = [1]} : vector<16xi32> to vector<1xi32>
      %squeeze3A_211 = vector.extract %slice3A_210[0] : i32 from vector<1xi32>
      %broadcast_in_dim3A_212 = vector.broadcast %squeeze3A_211 : i32 to vector<16xi32>
      %select_n3A_213 = arith.select %eq3A_206, %broadcast_in_dim3A_212, %select_n3A_189 : vector<16xi1>, vector<16xi32>
      %swap3A_214 = arith.constant 1 : i32
      %swap3A_215 = arith.constant 5 : i32
      %swap3A_216 = arith.index_cast %swap3A_215 : i32 to index
      %swap3A_217 = memref.load %arg15[%swap3A_216] : memref<8xi32, #tpu.memory_space<smem>>
      memref.store %swap3A_214, %arg15[%swap3A_216] : memref<8xi32, #tpu.memory_space<smem>>
      %eq3A_218 = arith.constant 6 : i32
      %eq3A_219 = vector.broadcast %eq3A_218 : i32 to vector<16xi32>
      %eq3A_220 = arith.cmpi eq, %iota3A, %eq3A_219 : vector<16xi32>
      %get3A_221 = arith.constant 192 : index
      %get3A_222 = tpu.vector_load %arg6[%get3A_221] {strides = array<i32>} : memref<256xf32, #tpu.memory_space<vmem>>, vector<16xf32>,
      %get3A_223 = vector.shape_cast %get3A_222 : vector<16xf32> to vector<16xf32>
      %slice3A_224 = vector.extract_strided_slice %get3A_223 {offsets = [0], sizes = [1], strides = [1]} : vector<16xf32> to vector<1xf32>
      %squeeze3A_225 = vector.extract %slice3A_224[0] : f32 from vector<1xf32>
      %broadcast_in_dim3A_226 = vector.broadcast %squeeze3A_225 : f32 to vector<16xf32>
      %select_n3A_227 = arith.select %eq3A_220, %broadcast_in_dim3A_226, %select_n3A_203 : vector<16xi1>, vector<16xf32>
      %eq3A_228 = arith.constant 6 : i32
      %eq3A_229 = vector.broadcast %eq3A_228 : i32 to vector<16xi32>
      %eq3A_230 = arith.cmpi eq, %iota3A, %eq3A_229 : vector<16xi32>
      %get3A_231 = arith.constant 192 : index
      %get3A_232 = tpu.vector_load %arg7[%get3A_231] {strides = array<i32>} : memref<256xi32, #tpu.memory_space<vmem>>, vector<16xi32>,
      %get3A_233 = vector.shape_cast %get3A_232 : vector<16xi32> to vector<16xi32>
      %slice3A_234 = vector.extract_strided_slice %get3A_233 {offsets = [0], sizes = [1], strides = [1]} : vector<16xi32> to vector<1xi32>
      %squeeze3A_235 = vector.extract %slice3A_234[0] : i32 from vector<1xi32>
      %broadcast_in_dim3A_236 = vector.broadcast %squeeze3A_235 : i32 to vector<16xi32>
      %select_n3A_237 = arith.select %eq3A_230, %broadcast_in_dim3A_236, %select_n3A_213 : vector<16xi1>, vector<16xi32>
      %swap3A_238 = arith.constant 1 : i32
      %swap3A_239 = arith.constant 6 : i32
      %swap3A_240 = arith.index_cast %swap3A_239 : i32 to index
      %swap3A_241 = memref.load %arg15[%swap3A_240] : memref<8xi32, #tpu.memory_space<smem>>
      memref.store %swap3A_238, %arg15[%swap3A_240] : memref<8xi32, #tpu.memory_space<smem>>
      %eq3A_242 = arith.constant 7 : i32
      %eq3A_243 = vector.broadcast %eq3A_242 : i32 to vector<16xi32>
      %eq3A_244 = arith.cmpi eq, %iota3A, %eq3A_243 : vector<16xi32>
      %get3A_245 = arith.constant 224 : index
      %get3A_246 = tpu.vector_load %arg6[%get3A_245] {strides = array<i32>} : memref<256xf32, #tpu.memory_space<vmem>>, vector<16xf32>,
      %get3A_247 = vector.shape_cast %get3A_246 : vector<16xf32> to vector<16xf32>
      %slice3A_248 = vector.extract_strided_slice %get3A_247 {offsets = [0], sizes = [1], strides = [1]} : vector<16xf32> to vector<1xf32>
      %squeeze3A_249 = vector.extract %slice3A_248[0] : f32 from vector<1xf32>
      %broadcast_in_dim3A_250 = vector.broadcast %squeeze3A_249 : f32 to vector<16xf32>
      %select_n3A_251 = arith.select %eq3A_244, %broadcast_in_dim3A_250, %select_n3A_227 : vector<16xi1>, vector<16xf32>
      %eq3A_252 = arith.constant 7 : i32
      %eq3A_253 = vector.broadcast %eq3A_252 : i32 to vector<16xi32>
      %eq3A_254 = arith.cmpi eq, %iota3A, %eq3A_253 : vector<16xi32>
      %get3A_255 = arith.constant 224 : index
      %get3A_256 = tpu.vector_load %arg7[%get3A_255] {strides = array<i32>} : memref<256xi32, #tpu.memory_space<vmem>>, vector<16xi32>,
      %get3A_257 = vector.shape_cast %get3A_256 : vector<16xi32> to vector<16xi32>
      %slice3A_258 = vector.extract_strided_slice %get3A_257 {offsets = [0], sizes = [1], strides = [1]} : vector<16xi32> to vector<1xi32>
      %squeeze3A_259 = vector.extract %slice3A_258[0] : i32 from vector<1xi32>
      %broadcast_in_dim3A_260 = vector.broadcast %squeeze3A_259 : i32 to vector<16xi32>
      %select_n3A_261 = arith.select %eq3A_254, %broadcast_in_dim3A_260, %select_n3A_237 : vector<16xi1>, vector<16xi32>
      %swap3A_262 = arith.constant 1 : i32
      %swap3A_263 = arith.constant 7 : i32
      %swap3A_264 = arith.index_cast %swap3A_263 : i32 to index
      %swap3A_265 = memref.load %arg15[%swap3A_264] : memref<8xi32, #tpu.memory_space<smem>>
      memref.store %swap3A_262, %arg15[%swap3A_264] : memref<8xi32, #tpu.memory_space<smem>>
      %add3A_266 = vector.broadcast %mul3A_76 : i32 to vector<16xi32>
      %add3A_267 = arith.addi %broadcast_in_dim3A_31, %add3A_266 : vector<16xi32>
      %add3A_268 = vector.broadcast %mul3A_76 : i32 to vector<16xi32>
      %add3A_269 = arith.addi %broadcast_in_dim3A_31, %add3A_268 : vector<16xi32>
      %scan3A_270 = arith.constant 0 : i32
      %scan3A_271 = arith.constant 20 : i32
      %scan3A_272 = arith.addi %scan3A_270, %scan3A_271 : i32
      %scan3A_273 = arith.constant 1 : i32
      %scan3A_274:4 = scf.for %scan3A_284 = %scan3A_270 to %scan3A_272 step %scan3A_273 iter_args(%scan3A_285 = %add3A_267, %scan3A_286 = %add3A_269, %scan3A_287 = %select_n3A_251, %scan3A_288 = %select_n3A_261) -> (vector<16xi32>, vector<16xi32>, vector<16xf32>, vector<16xi32>)  : i32 {
        %mul3A_289 = arith.constant 16 : i32
        %mul3A_290 = vector.broadcast %mul3A_289 : i32 to vector<16xi32>
        %mul3A_291 = arith.muli %scan3A_288, %mul3A_290 : vector<16xi32>
        %add3A_292 = arith.addi %mul3A_291, %iota3A : vector<16xi32>
        %xor3A = arith.constant 8 : i32
        %xor3A_293 = vector.broadcast %xor3A : i32 to vector<16xi32>
        %xor3A_294 = arith.xori %iota3A, %xor3A_293 : vector<16xi32>
        %lt3A_295 = arith.constant 0 : i32
        %lt3A_296 = vector.broadcast %lt3A_295 : i32 to vector<16xi32>
        %lt3A_297 = arith.cmpi slt, %xor3A_294, %lt3A_296 : vector<16xi32>
        %add3A_298 = arith.constant 16 : i32
        %add3A_299 = vector.broadcast %add3A_298 : i32 to vector<16xi32>
        %add3A_300 = arith.addi %xor3A_294, %add3A_299 : vector<16xi32>
        %select_n3A_301 = arith.select %lt3A_297, %add3A_300, %xor3A_294 : vector<16xi1>, vector<16xi32>
        %broadcast_in_dim3A_302 = vector.shape_cast %select_n3A_301 : vector<16xi32> to vector<16x1xi32>
        %gather3A = vector.shape_cast %broadcast_in_dim3A_302 : vector<16x1xi32> to vector<16xi32>
        %gather3A_303 = tpu.dynamic_gather %scan3A_287[%gather3A] in [0] : vector<16xf32>, vector<16xi32> -> vector<16xf32>
        %xor3A_304 = arith.constant 8 : i32
        %xor3A_305 = vector.broadcast %xor3A_304 : i32 to vector<16xi32>
        %xor3A_306 = arith.xori %iota3A, %xor3A_305 : vector<16xi32>
        %lt3A_307 = arith.constant 0 : i32
        %lt3A_308 = vector.broadcast %lt3A_307 : i32 to vector<16xi32>
        %lt3A_309 = arith.cmpi slt, %xor3A_306, %lt3A_308 : vector<16xi32>
        %add3A_310 = arith.constant 16 : i32
        %add3A_311 = vector.broadcast %add3A_310 : i32 to vector<16xi32>
        %add3A_312 = arith.addi %xor3A_306, %add3A_311 : vector<16xi32>
        %select_n3A_313 = arith.select %lt3A_309, %add3A_312, %xor3A_306 : vector<16xi1>, vector<16xi32>
        %broadcast_in_dim3A_314 = vector.shape_cast %select_n3A_313 : vector<16xi32> to vector<16x1xi32>
        %gather3A_315 = vector.shape_cast %broadcast_in_dim3A_314 : vector<16x1xi32> to vector<16xi32>
        %gather3A_316 = tpu.dynamic_gather %add3A_292[%gather3A_315] in [0] : vector<16xi32>, vector<16xi32> -> vector<16xi32>
        %gt3A = arith.cmpf ogt, %gather3A_303, %scan3A_287 : vector<16xf32>
        %eq3A_317 = arith.cmpf oeq, %gather3A_303, %scan3A_287 : vector<16xf32>
        %lt3A_318 = arith.cmpi slt, %gather3A_316, %add3A_292 : vector<16xi32>
        %and3A_319 = arith.andi %eq3A_317, %lt3A_318 : vector<16xi1>
        %or3A = arith.ori %gt3A, %and3A_319 : vector<16xi1>
        %select_n3A_320 = arith.select %or3A, %gather3A_303, %scan3A_287 : vector<16xi1>, vector<16xf32>
        %select_n3A_321 = arith.select %or3A, %gather3A_316, %add3A_292 : vector<16xi1>, vector<16xi32>
        %xor3A_322 = arith.constant 4 : i32
        %xor3A_323 = vector.broadcast %xor3A_322 : i32 to vector<16xi32>
        %xor3A_324 = arith.xori %iota3A, %xor3A_323 : vector<16xi32>
        %lt3A_325 = arith.constant 0 : i32
        %lt3A_326 = vector.broadcast %lt3A_325 : i32 to vector<16xi32>
        %lt3A_327 = arith.cmpi slt, %xor3A_324, %lt3A_326 : vector<16xi32>
        %add3A_328 = arith.constant 16 : i32
        %add3A_329 = vector.broadcast %add3A_328 : i32 to vector<16xi32>
        %add3A_330 = arith.addi %xor3A_324, %add3A_329 : vector<16xi32>
        %select_n3A_331 = arith.select %lt3A_327, %add3A_330, %xor3A_324 : vector<16xi1>, vector<16xi32>
        %broadcast_in_dim3A_332 = vector.shape_cast %select_n3A_331 : vector<16xi32> to vector<16x1xi32>
        %gather3A_333 = vector.shape_cast %broadcast_in_dim3A_332 : vector<16x1xi32> to vector<16xi32>
        %gather3A_334 = tpu.dynamic_gather %select_n3A_320[%gather3A_333] in [0] : vector<16xf32>, vector<16xi32> -> vector<16xf32>
        %xor3A_335 = arith.constant 4 : i32
        %xor3A_336 = vector.broadcast %xor3A_335 : i32 to vector<16xi32>
        %xor3A_337 = arith.xori %iota3A, %xor3A_336 : vector<16xi32>
        %lt3A_338 = arith.constant 0 : i32
        %lt3A_339 = vector.broadcast %lt3A_338 : i32 to vector<16xi32>
        %lt3A_340 = arith.cmpi slt, %xor3A_337, %lt3A_339 : vector<16xi32>
        %add3A_341 = arith.constant 16 : i32
        %add3A_342 = vector.broadcast %add3A_341 : i32 to vector<16xi32>
        %add3A_343 = arith.addi %xor3A_337, %add3A_342 : vector<16xi32>
        %select_n3A_344 = arith.select %lt3A_340, %add3A_343, %xor3A_337 : vector<16xi1>, vector<16xi32>
        %broadcast_in_dim3A_345 = vector.shape_cast %select_n3A_344 : vector<16xi32> to vector<16x1xi32>
        %gather3A_346 = vector.shape_cast %broadcast_in_dim3A_345 : vector<16x1xi32> to vector<16xi32>
        %gather3A_347 = tpu.dynamic_gather %select_n3A_321[%gather3A_346] in [0] : vector<16xi32>, vector<16xi32> -> vector<16xi32>
        %gt3A_348 = arith.cmpf ogt, %gather3A_334, %select_n3A_320 : vector<16xf32>
        %eq3A_349 = arith.cmpf oeq, %gather3A_334, %select_n3A_320 : vector<16xf32>
        %lt3A_350 = arith.cmpi slt, %gather3A_347, %select_n3A_321 : vector<16xi32>
        %and3A_351 = arith.andi %eq3A_349, %lt3A_350 : vector<16xi1>
        %or3A_352 = arith.ori %gt3A_348, %and3A_351 : vector<16xi1>
        %select_n3A_353 = arith.select %or3A_352, %gather3A_334, %select_n3A_320 : vector<16xi1>, vector<16xf32>
        %select_n3A_354 = arith.select %or3A_352, %gather3A_347, %select_n3A_321 : vector<16xi1>, vector<16xi32>
        %xor3A_355 = arith.constant 2 : i32
        %xor3A_356 = vector.broadcast %xor3A_355 : i32 to vector<16xi32>
        %xor3A_357 = arith.xori %iota3A, %xor3A_356 : vector<16xi32>
        %lt3A_358 = arith.constant 0 : i32
        %lt3A_359 = vector.broadcast %lt3A_358 : i32 to vector<16xi32>
        %lt3A_360 = arith.cmpi slt, %xor3A_357, %lt3A_359 : vector<16xi32>
        %add3A_361 = arith.constant 16 : i32
        %add3A_362 = vector.broadcast %add3A_361 : i32 to vector<16xi32>
        %add3A_363 = arith.addi %xor3A_357, %add3A_362 : vector<16xi32>
        %select_n3A_364 = arith.select %lt3A_360, %add3A_363, %xor3A_357 : vector<16xi1>, vector<16xi32>
        %broadcast_in_dim3A_365 = vector.shape_cast %select_n3A_364 : vector<16xi32> to vector<16x1xi32>
        %gather3A_366 = vector.shape_cast %broadcast_in_dim3A_365 : vector<16x1xi32> to vector<16xi32>
        %gather3A_367 = tpu.dynamic_gather %select_n3A_353[%gather3A_366] in [0] : vector<16xf32>, vector<16xi32> -> vector<16xf32>
        %xor3A_368 = arith.constant 2 : i32
        %xor3A_369 = vector.broadcast %xor3A_368 : i32 to vector<16xi32>
        %xor3A_370 = arith.xori %iota3A, %xor3A_369 : vector<16xi32>
        %lt3A_371 = arith.constant 0 : i32
        %lt3A_372 = vector.broadcast %lt3A_371 : i32 to vector<16xi32>
        %lt3A_373 = arith.cmpi slt, %xor3A_370, %lt3A_372 : vector<16xi32>
        %add3A_374 = arith.constant 16 : i32
        %add3A_375 = vector.broadcast %add3A_374 : i32 to vector<16xi32>
        %add3A_376 = arith.addi %xor3A_370, %add3A_375 : vector<16xi32>
        %select_n3A_377 = arith.select %lt3A_373, %add3A_376, %xor3A_370 : vector<16xi1>, vector<16xi32>
        %broadcast_in_dim3A_378 = vector.shape_cast %select_n3A_377 : vector<16xi32> to vector<16x1xi32>
        %gather3A_379 = vector.shape_cast %broadcast_in_dim3A_378 : vector<16x1xi32> to vector<16xi32>
        %gather3A_380 = tpu.dynamic_gather %select_n3A_354[%gather3A_379] in [0] : vector<16xi32>, vector<16xi32> -> vector<16xi32>
        %gt3A_381 = arith.cmpf ogt, %gather3A_367, %select_n3A_353 : vector<16xf32>
        %eq3A_382 = arith.cmpf oeq, %gather3A_367, %select_n3A_353 : vector<16xf32>
        %lt3A_383 = arith.cmpi slt, %gather3A_380, %select_n3A_354 : vector<16xi32>
        %and3A_384 = arith.andi %eq3A_382, %lt3A_383 : vector<16xi1>
        %or3A_385 = arith.ori %gt3A_381, %and3A_384 : vector<16xi1>
        %select_n3A_386 = arith.select %or3A_385, %gather3A_367, %select_n3A_353 : vector<16xi1>, vector<16xf32>
        %select_n3A_387 = arith.select %or3A_385, %gather3A_380, %select_n3A_354 : vector<16xi1>, vector<16xi32>
        %xor3A_388 = arith.constant 1 : i32
        %xor3A_389 = vector.broadcast %xor3A_388 : i32 to vector<16xi32>
        %xor3A_390 = arith.xori %iota3A, %xor3A_389 : vector<16xi32>
        %lt3A_391 = arith.constant 0 : i32
        %lt3A_392 = vector.broadcast %lt3A_391 : i32 to vector<16xi32>
        %lt3A_393 = arith.cmpi slt, %xor3A_390, %lt3A_392 : vector<16xi32>
        %add3A_394 = arith.constant 16 : i32
        %add3A_395 = vector.broadcast %add3A_394 : i32 to vector<16xi32>
        %add3A_396 = arith.addi %xor3A_390, %add3A_395 : vector<16xi32>
        %select_n3A_397 = arith.select %lt3A_393, %add3A_396, %xor3A_390 : vector<16xi1>, vector<16xi32>
        %broadcast_in_dim3A_398 = vector.shape_cast %select_n3A_397 : vector<16xi32> to vector<16x1xi32>
        %gather3A_399 = vector.shape_cast %broadcast_in_dim3A_398 : vector<16x1xi32> to vector<16xi32>
        %gather3A_400 = tpu.dynamic_gather %select_n3A_386[%gather3A_399] in [0] : vector<16xf32>, vector<16xi32> -> vector<16xf32>
        %xor3A_401 = arith.constant 1 : i32
        %xor3A_402 = vector.broadcast %xor3A_401 : i32 to vector<16xi32>
        %xor3A_403 = arith.xori %iota3A, %xor3A_402 : vector<16xi32>
        %lt3A_404 = arith.constant 0 : i32
        %lt3A_405 = vector.broadcast %lt3A_404 : i32 to vector<16xi32>
        %lt3A_406 = arith.cmpi slt, %xor3A_403, %lt3A_405 : vector<16xi32>
        %add3A_407 = arith.constant 16 : i32
        %add3A_408 = vector.broadcast %add3A_407 : i32 to vector<16xi32>
        %add3A_409 = arith.addi %xor3A_403, %add3A_408 : vector<16xi32>
        %select_n3A_410 = arith.select %lt3A_406, %add3A_409, %xor3A_403 : vector<16xi1>, vector<16xi32>
        %broadcast_in_dim3A_411 = vector.shape_cast %select_n3A_410 : vector<16xi32> to vector<16x1xi32>
        %gather3A_412 = vector.shape_cast %broadcast_in_dim3A_411 : vector<16x1xi32> to vector<16xi32>
        %gather3A_413 = tpu.dynamic_gather %select_n3A_387[%gather3A_412] in [0] : vector<16xi32>, vector<16xi32> -> vector<16xi32>
        %gt3A_414 = arith.cmpf ogt, %gather3A_400, %select_n3A_386 : vector<16xf32>
        %eq3A_415 = arith.cmpf oeq, %gather3A_400, %select_n3A_386 : vector<16xf32>
        %lt3A_416 = arith.cmpi slt, %gather3A_413, %select_n3A_387 : vector<16xi32>
        %and3A_417 = arith.andi %eq3A_415, %lt3A_416 : vector<16xi1>
        %or3A_418 = arith.ori %gt3A_414, %and3A_417 : vector<16xi1>
        %select_n3A_419 = arith.select %or3A_418, %gather3A_400, %select_n3A_386 : vector<16xi1>, vector<16xf32>
        %select_n3A_420 = arith.select %or3A_418, %gather3A_413, %select_n3A_387 : vector<16xi1>, vector<16xi32>
        %slice3A_421 = vector.extract_strided_slice %select_n3A_420 {offsets = [0], sizes = [1], strides = [1]} : vector<16xi32> to vector<1xi32>
        %squeeze3A_422 = vector.extract %slice3A_421[0] : i32 from vector<1xi32>
        %and3A_423 = arith.constant 15 : i32
        %and3A_424 = arith.andi %squeeze3A_422, %and3A_423 : i32
        %shift_right_arithmetic3A = arith.constant 4 : i32
        %shift_right_arithmetic3A_425 = arith.shrsi %squeeze3A_422, %shift_right_arithmetic3A : i32
        %add3A_426 = arith.addi %mul3A_76, %shift_right_arithmetic3A_425 : i32
        %lt3A_427 = arith.constant 16 : i32
        %lt3A_428 = arith.cmpi slt, %scan3A_284, %lt3A_427 : i32
        %jit3A_429 = arith.constant 99 : i32
        %select_n3A_430 = arith.select %lt3A_428, %scan3A_284, %jit3A_429 : i32
        %eq3A_431 = vector.broadcast %select_n3A_430 : i32 to vector<16xi32>
        %eq3A_432 = arith.cmpi eq, %iota3A, %eq3A_431 : vector<16xi32>
        %ge3A = arith.constant 16 : i32
        %ge3A_433 = arith.cmpi sge, %scan3A_284, %ge3A : i32
        %sub3A_434 = arith.constant 16 : i32
        %sub3A_435 = arith.subi %scan3A_284, %sub3A_434 : i32
        %jit3A_436 = arith.constant 99 : i32
        %select_n3A_437 = arith.select %ge3A_433, %sub3A_435, %jit3A_436 : i32
        %eq3A_438 = vector.broadcast %select_n3A_437 : i32 to vector<16xi32>
        %eq3A_439 = arith.cmpi eq, %iota3A, %eq3A_438 : vector<16xi32>
        %broadcast_in_dim3A_440 = vector.broadcast %add3A_426 : i32 to vector<16xi32>
        %select_n3A_441 = arith.select %eq3A_432, %broadcast_in_dim3A_440, %scan3A_285 : vector<16xi1>, vector<16xi32>
        %broadcast_in_dim3A_442 = vector.broadcast %add3A_426 : i32 to vector<16xi32>
        %select_n3A_443 = arith.select %eq3A_439, %broadcast_in_dim3A_442, %scan3A_286 : vector<16xi1>, vector<16xi32>
        %eq3A_444 = vector.broadcast %and3A_424 : i32 to vector<16xi32>
        %eq3A_445 = arith.cmpi eq, %iota3A, %eq3A_444 : vector<16xi32>
        %get3A_446 = arith.index_cast %and3A_424 : i32 to index
        %get3A_447 = memref.load %arg15[%get3A_446] : memref<8xi32, #tpu.memory_space<smem>>
        %add3A_448 = arith.constant 1 : i32
        %add3A_449 = arith.addi %get3A_447, %add3A_448 : i32
        %swap3A_450 = arith.index_cast %and3A_424 : i32 to index
        %swap3A_451 = memref.load %arg15[%swap3A_450] : memref<8xi32, #tpu.memory_space<smem>>
        memref.store %add3A_449, %arg15[%swap3A_450] : memref<8xi32, #tpu.memory_space<smem>>
        %mul3A_452 = arith.constant 32 : i32
        %mul3A_453 = arith.muli %and3A_424, %mul3A_452 : i32
        %add3A_454 = arith.addi %mul3A_453, %get3A_447 : i32
        %and3A_455 = arith.constant -16 : i32
        %and3A_456 = arith.andi %add3A_454, %and3A_455 : i32
        %and3A_457 = arith.constant 15 : i32
        %and3A_458 = arith.andi %add3A_454, %and3A_457 : i32
        %add3A_459 = vector.broadcast %and3A_458 : i32 to vector<16xi32>
        %add3A_460 = arith.addi %broadcast_in_dim3A_31, %add3A_459 : vector<16xi32>
        %get3A_461 = arith.index_cast %and3A_456 : i32 to index
        %get3A_462 = tpu.vector_load %arg6[%get3A_461] {strides = array<i32>} : memref<256xf32, #tpu.memory_space<vmem>>, vector<16xf32>,
        %get3A_463 = vector.shape_cast %get3A_462 : vector<16xf32> to vector<16xf32>
        %lt3A_464 = arith.constant 0 : i32
        %lt3A_465 = vector.broadcast %lt3A_464 : i32 to vector<16xi32>
        %lt3A_466 = arith.cmpi slt, %add3A_460, %lt3A_465 : vector<16xi32>
        %add3A_467 = arith.constant 16 : i32
        %add3A_468 = vector.broadcast %add3A_467 : i32 to vector<16xi32>
        %add3A_469 = arith.addi %add3A_460, %add3A_468 : vector<16xi32>
        %select_n3A_470 = arith.select %lt3A_466, %add3A_469, %add3A_460 : vector<16xi1>, vector<16xi32>
        %broadcast_in_dim3A_471 = vector.shape_cast %select_n3A_470 : vector<16xi32> to vector<16x1xi32>
        %gather3A_472 = vector.shape_cast %broadcast_in_dim3A_471 : vector<16x1xi32> to vector<16xi32>
        %gather3A_473 = tpu.dynamic_gather %get3A_463[%gather3A_472] in [0] : vector<16xf32>, vector<16xi32> -> vector<16xf32>
        %get3A_474 = arith.index_cast %and3A_456 : i32 to index
        %get3A_475 = tpu.vector_load %arg7[%get3A_474] {strides = array<i32>} : memref<256xi32, #tpu.memory_space<vmem>>, vector<16xi32>,
        %get3A_476 = vector.shape_cast %get3A_475 : vector<16xi32> to vector<16xi32>
        %lt3A_477 = arith.constant 0 : i32
        %lt3A_478 = vector.broadcast %lt3A_477 : i32 to vector<16xi32>
        %lt3A_479 = arith.cmpi slt, %add3A_460, %lt3A_478 : vector<16xi32>
        %add3A_480 = arith.constant 16 : i32
        %add3A_481 = vector.broadcast %add3A_480 : i32 to vector<16xi32>
        %add3A_482 = arith.addi %add3A_460, %add3A_481 : vector<16xi32>
        %select_n3A_483 = arith.select %lt3A_479, %add3A_482, %add3A_460 : vector<16xi1>, vector<16xi32>
        %broadcast_in_dim3A_484 = vector.shape_cast %select_n3A_483 : vector<16xi32> to vector<16x1xi32>
        %gather3A_485 = vector.shape_cast %broadcast_in_dim3A_484 : vector<16x1xi32> to vector<16xi32>
        %gather3A_486 = tpu.dynamic_gather %get3A_476[%gather3A_485] in [0] : vector<16xi32>, vector<16xi32> -> vector<16xi32>
        %select_n3A_487 = arith.select %eq3A_445, %gather3A_473, %scan3A_287 : vector<16xi1>, vector<16xf32>
        %select_n3A_488 = arith.select %eq3A_445, %gather3A_486, %scan3A_288 : vector<16xi1>, vector<16xi32>
        scf.yield %select_n3A_441, %select_n3A_443, %select_n3A_487, %select_n3A_488 : vector<16xi32>, vector<16xi32>, vector<16xf32>, vector<16xi32>
      }
      %scan3A_275 = arith.constant 20 : i32
      %swap3A_276 = arith.constant 0 : index
      %swap3A_277 = tpu.vector_load %arg10[%swap3A_276] {strides = array<i32>} : memref<32xi32, #tpu.memory_space<vmem>>, vector<16xi32>,
      %swap3A_278 = vector.shape_cast %swap3A_277 : vector<16xi32> to vector<16xi32>
      %swap3A_279 = vector.shape_cast %scan3A_274#0 : vector<16xi32> to vector<16xi32>
      tpu.vector_store %arg10[%swap3A_276], %swap3A_279 {strides = array<i32>} : memref<32xi32, #tpu.memory_space<vmem>>, vector<16xi32>,
      %swap3A_280 = arith.constant 16 : index
      %swap3A_281 = tpu.vector_load %arg10[%swap3A_280] {strides = array<i32>} : memref<32xi32, #tpu.memory_space<vmem>>, vector<16xi32>,
      %swap3A_282 = vector.shape_cast %swap3A_281 : vector<16xi32> to vector<16xi32>
      %swap3A_283 = vector.shape_cast %scan3A_274#1 : vector<16xi32> to vector<16xi32>
      tpu.vector_store %arg10[%swap3A_280], %swap3A_283 {strides = array<i32>} : memref<32xi32, #tpu.memory_space<vmem>>, vector<16xi32>,
      "tpu.region"() ({
        %run_scoped3A = tpu.sem_alloc : memref<!tpu.dma_semaphore, #tpu.memory_space<semaphore_mem>>
        %dma_start3A = arith.constant 0 : i32
        %dma_start3A_284 = tpu.memref_slice %arg14[%select_n3A, %dma_start3A] : memref<2x256xi32, #tpu.memory_space<vmem_shared>> -> memref<1x32xi32, #tpu.memory_space<vmem_shared>>
        %dma_start3A_285 = tpu.memref_squeeze %dma_start3A_284 : memref<1x32xi32, #tpu.memory_space<vmem_shared>> -> memref<32xi32, #tpu.memory_space<vmem_shared>>
        %dma_start3A_286 = arith.constant 0 : i32
        %dma_start3A_287 = tpu.memref_slice %arg14[%select_n3A, %dma_start3A_286] : memref<2x256xi32, #tpu.memory_space<vmem_shared>> -> memref<1x32xi32, #tpu.memory_space<vmem_shared>>
        %dma_start3A_288 = tpu.memref_squeeze %dma_start3A_287 : memref<1x32xi32, #tpu.memory_space<vmem_shared>> -> memref<32xi32, #tpu.memory_space<vmem_shared>>
        tpu.enqueue_dma source(%arg10 : memref<32xi32, #tpu.memory_space<vmem>>) target(%dma_start3A_288 : memref<32xi32, #tpu.memory_space<vmem_shared>>) target_semaphore(%run_scoped3A : memref<!tpu.dma_semaphore, #tpu.memory_space<semaphore_mem>>)
        %dma_wait3A = arith.constant 0 : i32
        %dma_wait3A_289 = tpu.memref_slice %arg14[%select_n3A, %dma_wait3A] : memref<2x256xi32, #tpu.memory_space<vmem_shared>> -> memref<1x32xi32, #tpu.memory_space<vmem_shared>>
        %dma_wait3A_290 = tpu.memref_squeeze %dma_wait3A_289 : memref<1x32xi32, #tpu.memory_space<vmem_shared>> -> memref<32xi32, #tpu.memory_space<vmem_shared>>
        %dma_wait3A_291 = arith.constant 0 : i32
        %dma_wait3A_292 = tpu.memref_slice %arg14[%select_n3A, %dma_wait3A_291] : memref<2x256xi32, #tpu.memory_space<vmem_shared>> -> memref<1x32xi32, #tpu.memory_space<vmem_shared>>
        %dma_wait3A_293 = tpu.memref_squeeze %dma_wait3A_292 : memref<1x32xi32, #tpu.memory_space<vmem_shared>> -> memref<32xi32, #tpu.memory_space<vmem_shared>>
        tpu.wait_dma2 semaphore(%run_scoped3A : memref<!tpu.dma_semaphore, #tpu.memory_space<semaphore_mem>>) src(%arg10 : memref<32xi32, #tpu.memory_space<vmem>>) dst(%dma_wait3A_293 : memref<32xi32, #tpu.memory_space<vmem_shared>>)
        tpu.yield
      }) : () -> ()
    } else {
    }
    %barrier3A_69 = arith.constant 0 : index
    tpu.barrier barrier_id(%barrier3A_69)
    %lt3A_70 = arith.constant 4 : i32
    %lt3A_71 = arith.cmpi slt, %select_n3A_30, %lt3A_70 : i32
    %convert_element_type3A_72 = arith.extui %lt3A_71 : i1 to i32
    %cond3A_73 = arith.constant 0 : i32
    %cond3A_74 = arith.cmpi ne, %convert_element_type3A_72, %cond3A_73 : i32
    scf.if %cond3A_74 {
      %mul3A_75 = arith.constant 8 : i32
      %mul3A_76 = arith.muli %select_n3A_30, %mul3A_75 : i32
      "tpu.region"() ({
        %run_scoped3A = tpu.sem_alloc : memref<!tpu.dma_semaphore, #tpu.memory_space<semaphore_mem>>
        %dma_start3A_83 = tpu.memref_slice %arg14[%select_n3A, %mul3A_76] : memref<2x256xi32, #tpu.memory_space<vmem_shared>> -> memref<1x8xi32, #tpu.memory_space<vmem_shared>>
        %dma_start3A_84 = tpu.memref_squeeze %dma_start3A_83 : memref<1x8xi32, #tpu.memory_space<vmem_shared>> -> memref<8xi32, #tpu.memory_space<vmem_shared>>
        %dma_start3A_85 = tpu.memref_slice %arg14[%select_n3A, %mul3A_76] : memref<2x256xi32, #tpu.memory_space<vmem_shared>> -> memref<1x8xi32, #tpu.memory_space<vmem_shared>>
        %dma_start3A_86 = tpu.memref_squeeze %dma_start3A_85 : memref<1x8xi32, #tpu.memory_space<vmem_shared>> -> memref<8xi32, #tpu.memory_space<vmem_shared>>
        tpu.enqueue_dma source(%dma_start3A_86 : memref<8xi32, #tpu.memory_space<vmem_shared>>) target(%arg12 : memref<8xi32, #tpu.memory_space<vmem>>) target_semaphore(%run_scoped3A : memref<!tpu.dma_semaphore, #tpu.memory_space<semaphore_mem>>)
        %dma_wait3A_87 = tpu.memref_slice %arg14[%select_n3A, %mul3A_76] : memref<2x256xi32, #tpu.memory_space<vmem_shared>> -> memref<1x8xi32, #tpu.memory_space<vmem_shared>>
        %dma_wait3A_88 = tpu.memref_squeeze %dma_wait3A_87 : memref<1x8xi32, #tpu.memory_space<vmem_shared>> -> memref<8xi32, #tpu.memory_space<vmem_shared>>
        %dma_wait3A_89 = tpu.memref_slice %arg14[%select_n3A, %mul3A_76] : memref<2x256xi32, #tpu.memory_space<vmem_shared>> -> memref<1x8xi32, #tpu.memory_space<vmem_shared>>
        %dma_wait3A_90 = tpu.memref_squeeze %dma_wait3A_89 : memref<1x8xi32, #tpu.memory_space<vmem_shared>> -> memref<8xi32, #tpu.memory_space<vmem_shared>>
        tpu.wait_dma2 semaphore(%run_scoped3A : memref<!tpu.dma_semaphore, #tpu.memory_space<semaphore_mem>>) src(%dma_wait3A_90 : memref<8xi32, #tpu.memory_space<vmem_shared>>) dst(%arg12 : memref<8xi32, #tpu.memory_space<vmem>>)
        tpu.yield
      }) : () -> ()
      %dma_start3A = arith.constant 0 : i32
      %dma_start3A_77 = arith.constant 0 : i32
      %dma_start3A_78 = tpu.memref_slice %arg3[%dma_start3A, %dma_start3A_77] : memref<8192x768xf32, #tpu.memory_space<hbm>> -> memref<8192x768xf32, #tpu.memory_space<hbm>>
      tpu.enqueue_indirect_dma source(%dma_start3A_78 : memref<8192x768xf32, #tpu.memory_space<hbm>>) target(%arg11 : memref<8x768xf32, #tpu.memory_space<vmem>>) offsets(%arg12 : memref<8xi32, #tpu.memory_space<vmem>>) semaphore(%arg16 : memref<!tpu.dma_semaphore, #tpu.memory_space<semaphore_mem>>)
      %dma_wait3A = arith.constant 0 : i32
      %dma_wait3A_79 = arith.constant 0 : i32
      %dma_wait3A_80 = tpu.memref_slice %arg3[%dma_wait3A, %dma_wait3A_79] : memref<8192x768xf32, #tpu.memory_space<hbm>> -> memref<8192x768xf32, #tpu.memory_space<hbm>>
      tpu.wait_indirect_dma semaphore(%arg16 : memref<!tpu.dma_semaphore, #tpu.memory_space<semaphore_mem>>) src(%dma_wait3A_80 : memref<8192x768xf32, #tpu.memory_space<hbm>>) dst(%arg11 : memref<8x768xf32, #tpu.memory_space<vmem>>)
      %mul3A_81 = arith.constant 8 : i32
      %mul3A_82 = arith.muli %select_n3A_30, %mul3A_81 : i32
      "tpu.region"() ({
        %run_scoped3A = tpu.sem_alloc : memref<!tpu.dma_semaphore, #tpu.memory_space<semaphore_mem>>
        %dma_start3A_83 = arith.constant 0 : i32
        %dma_start3A_84 = tpu.memref_slice %arg4[%add3A, %mul3A_82, %dma_start3A_83] : memref<4x32x768xf32, #tpu.memory_space<hbm>> -> memref<1x8x768xf32, #tpu.memory_space<hbm>>
        %dma_start3A_85 = tpu.memref_squeeze %dma_start3A_84 : memref<1x8x768xf32, #tpu.memory_space<hbm>> -> memref<8x768xf32, #tpu.memory_space<hbm>>
        %dma_start3A_86 = arith.constant 0 : i32
        %dma_start3A_87 = tpu.memref_slice %arg4[%add3A, %mul3A_82, %dma_start3A_86] : memref<4x32x768xf32, #tpu.memory_space<hbm>> -> memref<1x8x768xf32, #tpu.memory_space<hbm>>
        %dma_start3A_88 = tpu.memref_squeeze %dma_start3A_87 : memref<1x8x768xf32, #tpu.memory_space<hbm>> -> memref<8x768xf32, #tpu.memory_space<hbm>>
        tpu.enqueue_dma source(%arg11 : memref<8x768xf32, #tpu.memory_space<vmem>>) target(%dma_start3A_88 : memref<8x768xf32, #tpu.memory_space<hbm>>) target_semaphore(%run_scoped3A : memref<!tpu.dma_semaphore, #tpu.memory_space<semaphore_mem>>)
        %dma_wait3A_89 = arith.constant 0 : i32
        %dma_wait3A_90 = tpu.memref_slice %arg4[%add3A, %mul3A_82, %dma_wait3A_89] : memref<4x32x768xf32, #tpu.memory_space<hbm>> -> memref<1x8x768xf32, #tpu.memory_space<hbm>>
        %dma_wait3A_91 = tpu.memref_squeeze %dma_wait3A_90 : memref<1x8x768xf32, #tpu.memory_space<hbm>> -> memref<8x768xf32, #tpu.memory_space<hbm>>
        %dma_wait3A_92 = arith.constant 0 : i32
        %dma_wait3A_93 = tpu.memref_slice %arg4[%add3A, %mul3A_82, %dma_wait3A_92] : memref<4x32x768xf32, #tpu.memory_space<hbm>> -> memref<1x8x768xf32, #tpu.memory_space<hbm>>
        %dma_wait3A_94 = tpu.memref_squeeze %dma_wait3A_93 : memref<1x8x768xf32, #tpu.memory_space<hbm>> -> memref<8x768xf32, #tpu.memory_space<hbm>>
        tpu.wait_dma2 semaphore(%run_scoped3A : memref<!tpu.dma_semaphore, #tpu.memory_space<semaphore_mem>>) src(%arg11 : memref<8x768xf32, #tpu.memory_space<vmem>>) dst(%dma_wait3A_94 : memref<8x768xf32, #tpu.memory_space<hbm>>)
        tpu.yield
      }) : () -> ()
    } else {
    }
    return
  }
}

module attributes {stable_mosaic.version = 14 : i64} {
  func.func @_score_sum_kernel(%arg0: i32, %arg1: memref<1x2048x768xf32, #tpu.memory_space<vmem>>, %arg2: memref<768x256xf32, #tpu.memory_space<vmem>>, %arg3: memref<1x256xf32, #tpu.memory_space<vmem>>, %arg4: memref<256x1xf32, #tpu.memory_space<vmem>>, %arg5: memref<1x2048x1xf32, #tpu.memory_space<vmem>>, %arg6: memref<1x1x768xf32, #tpu.memory_space<vmem>>) attributes {dimension_semantics = [#tpu.dimension_semantics<parallel>], iteration_bounds = array<i64: 4>, scalar_prefetch = 0 : i64, scratch_operands = 0 : i64, tpu.core_type = #tpu.core_type<tc>, window_params = [{transform_indices = @transform_0, window_bounds = array<i64: 1, 2048, 768>}, {pipeline_mode = #tpu.pipeline_mode<synchronous>, transform_indices = @transform_1, window_bounds = array<i64: 768, 256>}, {pipeline_mode = #tpu.pipeline_mode<synchronous>, transform_indices = @transform_2, window_bounds = array<i64: 1, 256>}, {pipeline_mode = #tpu.pipeline_mode<synchronous>, transform_indices = @transform_3, window_bounds = array<i64: 256, 1>}, {transform_indices = @transform_4, window_bounds = array<i64: 1, 2048, 1>}, {transform_indices = @transform_5, window_bounds = array<i64: 1, 1, 768>}]} {
    %get3A = arith.constant 0 : index
    %get3A_0 = arith.constant 0 : index
    %get3A_1 = arith.constant 0 : index
    %get3A_2 = vector.load %arg1[%get3A, %get3A_0, %get3A_1] : memref<1x2048x768xf32, #tpu.memory_space<vmem>>, vector<1x2048x768xf32>
    %get3A_3 = vector.shape_cast %get3A_2 : vector<1x2048x768xf32> to vector<2048x768xf32>
    %get3A_4 = arith.constant 0 : index
    %get3A_5 = arith.constant 0 : index
    %get3A_6 = vector.load %arg2[%get3A_4, %get3A_5] : memref<768x256xf32, #tpu.memory_space<vmem>>, vector<768x256xf32>
    %dot_general3A = arith.constant dense<0.000000e+00> : vector<2048x256xf32>
    %dot_general3A_7 = tpu.matmul %get3A_3, %get3A_6, %dot_general3A {dimension_numbers = #tpu.dot_dimension_numbers<[1], [0], [0], [1], [0, 0, 1, 1], [], []>, transpose_lhs_hint = false} : vector<2048x768xf32>, vector<768x256xf32>, vector<2048x256xf32> -> vector<2048x256xf32>
    %get3A_8 = arith.constant 0 : index
    %get3A_9 = arith.constant 0 : index
    %get3A_10 = vector.load %arg3[%get3A_8, %get3A_9] : memref<1x256xf32, #tpu.memory_space<vmem>>, vector<1x256xf32>
    %add3A = vector.broadcast %get3A_10 : vector<1x256xf32> to vector<2048x256xf32>
    %add3A_11 = arith.addf %dot_general3A_7, %add3A : vector<2048x256xf32>
    %max3A = arith.constant 0.000000e+00 : f32
    %max3A_12 = vector.broadcast %max3A : f32 to vector<2048x256xf32>
    %max3A_13 = arith.maximumf %add3A_11, %max3A_12 : vector<2048x256xf32>
    %get3A_14 = arith.constant 0 : index
    %get3A_15 = arith.constant 0 : index
    %get3A_16 = vector.load %arg4[%get3A_14, %get3A_15] : memref<256x1xf32, #tpu.memory_space<vmem>>, vector<256x1xf32>
    %dot_general3A_17 = arith.constant dense<0.000000e+00> : vector<2048x1xf32>
    %dot_general3A_18 = tpu.matmul %max3A_13, %get3A_16, %dot_general3A_17 {dimension_numbers = #tpu.dot_dimension_numbers<[1], [0], [0], [1], [0, 0, 1, 1], [], []>, transpose_lhs_hint = false} : vector<2048x256xf32>, vector<256x1xf32>, vector<2048x1xf32> -> vector<2048x1xf32>
    %swap3A = arith.constant 0 : index
    %swap3A_19 = arith.constant 0 : index
    %swap3A_20 = arith.constant 0 : index
    %swap3A_21 = vector.load %arg5[%swap3A, %swap3A_19, %swap3A_20] : memref<1x2048x1xf32, #tpu.memory_space<vmem>>, vector<1x2048x1xf32>
    %swap3A_22 = vector.shape_cast %swap3A_21 : vector<1x2048x1xf32> to vector<2048x1xf32>
    %swap3A_23 = vector.shape_cast %dot_general3A_18 : vector<2048x1xf32> to vector<1x2048x1xf32>
    tpu.vector_store %arg5[%swap3A, %swap3A_19, %swap3A_20], %swap3A_23 {strides = array<i32>} : memref<1x2048x1xf32, #tpu.memory_space<vmem>>, vector<1x2048x1xf32>,
    %reduce_sum3A = arith.constant dense<0.000000e+00> : vector<768xf32>
    %reduce_sum3A_24 = vector.multi_reduction <add>, %get3A_3, %reduce_sum3A [0] : vector<2048x768xf32> to vector<768xf32>
    %broadcast_in_dim3A = vector.shape_cast %reduce_sum3A_24 : vector<768xf32> to vector<1x768xf32>
    %swap3A_25 = arith.constant 0 : index
    %swap3A_26 = arith.constant 0 : index
    %swap3A_27 = arith.constant 0 : index
    %swap3A_28 = vector.load %arg6[%swap3A_25, %swap3A_26, %swap3A_27] : memref<1x1x768xf32, #tpu.memory_space<vmem>>, vector<1x1x768xf32>
    %swap3A_29 = vector.shape_cast %swap3A_28 : vector<1x1x768xf32> to vector<1x768xf32>
    %swap3A_30 = vector.shape_cast %broadcast_in_dim3A : vector<1x768xf32> to vector<1x1x768xf32>
    tpu.vector_store %arg6[%swap3A_25, %swap3A_26, %swap3A_27], %swap3A_30 {strides = array<i32>} : memref<1x1x768xf32, #tpu.memory_space<vmem>>, vector<1x1x768xf32>,
    return
  }
  func.func @transform_0(%arg0: i32) -> (i32, i32, i32) {
    %c0_i32 = arith.constant 0 : i32
    %c0_i32_0 = arith.constant 0 : i32
    %c0_i32_1 = arith.constant 0 : i32
    return %arg0, %c0_i32, %c0_i32_0 : i32, i32, i32
  }
  func.func @transform_1(%arg0: i32) -> (i32, i32) {
    %c0_i32 = arith.constant 0 : i32
    %c0_i32_0 = arith.constant 0 : i32
    %c0_i32_1 = arith.constant 0 : i32
    return %c0_i32, %c0_i32_0 : i32, i32
  }
  func.func @transform_2(%arg0: i32) -> (i32, i32) {
    %c0_i32 = arith.constant 0 : i32
    %c0_i32_0 = arith.constant 0 : i32
    %c0_i32_1 = arith.constant 0 : i32
    return %c0_i32, %c0_i32_0 : i32, i32
  }
  func.func @transform_3(%arg0: i32) -> (i32, i32) {
    %c0_i32 = arith.constant 0 : i32
    %c0_i32_0 = arith.constant 0 : i32
    %c0_i32_1 = arith.constant 0 : i32
    return %c0_i32, %c0_i32_0 : i32, i32
  }
  func.func @transform_4(%arg0: i32) -> (i32, i32, i32) {
    %c0_i32 = arith.constant 0 : i32
    %c0_i32_0 = arith.constant 0 : i32
    %c0_i32_1 = arith.constant 0 : i32
    return %arg0, %c0_i32, %c0_i32_0 : i32, i32, i32
  }
  func.func @transform_5(%arg0: i32) -> (i32, i32, i32) {
    %c0_i32 = arith.constant 0 : i32
    %c0_i32_0 = arith.constant 0 : i32
    %c0_i32_1 = arith.constant 0 : i32
    return %arg0, %c0_i32, %c0_i32_0 : i32, i32, i32
  }
}

module attributes {stable_mosaic.version = 14 : i64} {
  func.func @_final_kernel(%arg0: memref<4x768xf32, #tpu.memory_space<vmem>>, %arg1: memref<4x32x768xf32, #tpu.memory_space<vmem>>, %arg2: memref<768x256xf32, #tpu.memory_space<vmem>>, %arg3: memref<1x256xf32, #tpu.memory_space<vmem>>, %arg4: memref<256x128xf32, #tpu.memory_space<vmem>>, %arg5: memref<1x128xf32, #tpu.memory_space<vmem>>, %arg6: memref<128x1xf32, #tpu.memory_space<vmem>>, %arg7: memref<1x1xf32, #tpu.memory_space<vmem>>, %arg8: memref<256x128xf32, #tpu.memory_space<vmem>>, %arg9: memref<1x128xf32, #tpu.memory_space<vmem>>, %arg10: memref<128x1xf32, #tpu.memory_space<vmem>>, %arg11: memref<1x1xf32, #tpu.memory_space<vmem>>, %arg12: memref<768x256xf32, #tpu.memory_space<vmem>>, %arg13: memref<1x256xf32, #tpu.memory_space<vmem>>, %arg14: memref<256x768xf32, #tpu.memory_space<vmem>>, %arg15: memref<1x768xf32, #tpu.memory_space<vmem>>, %arg16: memref<768x256xf32, #tpu.memory_space<vmem>>, %arg17: memref<1x256xf32, #tpu.memory_space<vmem>>, %arg18: memref<256x768xf32, #tpu.memory_space<vmem>>, %arg19: memref<1x768xf32, #tpu.memory_space<vmem>>, %arg20: memref<4x768xf32, #tpu.memory_space<vmem>>) attributes {dimension_semantics = [], scalar_prefetch = 0 : i64, scratch_operands = 0 : i64, tpu.core_type = #tpu.core_type<tc>} {
    %get3A = arith.constant 0 : index
    %get3A_0 = arith.constant 0 : index
    %get3A_1 = vector.load %arg0[%get3A, %get3A_0] : memref<4x768xf32, #tpu.memory_space<vmem>>, vector<4x768xf32>
    %mul3A = arith.constant 4.8828125E-4 : f32
    %mul3A_2 = vector.broadcast %mul3A : f32 to vector<4x768xf32>
    %mul3A_3 = arith.mulf %get3A_1, %mul3A_2 : vector<4x768xf32>
    %get3A_4 = arith.constant 0 : index
    %get3A_5 = arith.constant 0 : index
    %get3A_6 = vector.load %arg2[%get3A_4, %get3A_5] : memref<768x256xf32, #tpu.memory_space<vmem>>, vector<768x256xf32>
    %dot_general3A = arith.constant dense<0.000000e+00> : vector<4x256xf32>
    %dot_general3A_7 = tpu.matmul %mul3A_3, %get3A_6, %dot_general3A {dimension_numbers = #tpu.dot_dimension_numbers<[1], [0], [0], [1], [0, 0, 1, 1], [], []>, transpose_lhs_hint = false} : vector<4x768xf32>, vector<768x256xf32>, vector<4x256xf32> -> vector<4x256xf32>
    %get3A_8 = arith.constant 0 : index
    %get3A_9 = arith.constant 0 : index
    %get3A_10 = vector.load %arg3[%get3A_8, %get3A_9] : memref<1x256xf32, #tpu.memory_space<vmem>>, vector<1x256xf32>
    %add3A = vector.broadcast %get3A_10 : vector<1x256xf32> to vector<4x256xf32>
    %add3A_11 = arith.addf %dot_general3A_7, %add3A : vector<4x256xf32>
    %max3A = arith.constant 0.000000e+00 : f32
    %max3A_12 = vector.broadcast %max3A : f32 to vector<4x256xf32>
    %max3A_13 = arith.maximumf %add3A_11, %max3A_12 : vector<4x256xf32>
    %get3A_14 = arith.constant 0 : index
    %get3A_15 = arith.constant 0 : index
    %get3A_16 = vector.load %arg4[%get3A_14, %get3A_15] : memref<256x128xf32, #tpu.memory_space<vmem>>, vector<256x128xf32>
    %dot_general3A_17 = arith.constant dense<0.000000e+00> : vector<4x128xf32>
    %dot_general3A_18 = tpu.matmul %max3A_13, %get3A_16, %dot_general3A_17 {dimension_numbers = #tpu.dot_dimension_numbers<[1], [0], [0], [1], [0, 0, 1, 1], [], []>, transpose_lhs_hint = false} : vector<4x256xf32>, vector<256x128xf32>, vector<4x128xf32> -> vector<4x128xf32>
    %get3A_19 = arith.constant 0 : index
    %get3A_20 = arith.constant 0 : index
    %get3A_21 = vector.load %arg5[%get3A_19, %get3A_20] : memref<1x128xf32, #tpu.memory_space<vmem>>, vector<1x128xf32>
    %add3A_22 = vector.broadcast %get3A_21 : vector<1x128xf32> to vector<4x128xf32>
    %add3A_23 = arith.addf %dot_general3A_18, %add3A_22 : vector<4x128xf32>
    %max3A_24 = arith.constant 0.000000e+00 : f32
    %max3A_25 = vector.broadcast %max3A_24 : f32 to vector<4x128xf32>
    %max3A_26 = arith.maximumf %add3A_23, %max3A_25 : vector<4x128xf32>
    %get3A_27 = arith.constant 0 : index
    %get3A_28 = arith.constant 0 : index
    %get3A_29 = vector.load %arg6[%get3A_27, %get3A_28] : memref<128x1xf32, #tpu.memory_space<vmem>>, vector<128x1xf32>
    %dot_general3A_30 = arith.constant dense<0.000000e+00> : vector<4x1xf32>
    %dot_general3A_31 = tpu.matmul %max3A_26, %get3A_29, %dot_general3A_30 {dimension_numbers = #tpu.dot_dimension_numbers<[1], [0], [0], [1], [0, 0, 1, 1], [], []>, transpose_lhs_hint = false} : vector<4x128xf32>, vector<128x1xf32>, vector<4x1xf32> -> vector<4x1xf32>
    %get3A_32 = arith.constant 0 : index
    %get3A_33 = arith.constant 0 : index
    %get3A_34 = vector.load %arg7[%get3A_32, %get3A_33] : memref<1x1xf32, #tpu.memory_space<vmem>>, vector<1x1xf32>
    %add3A_35 = vector.broadcast %get3A_34 : vector<1x1xf32> to vector<4x1xf32>
    %add3A_36 = arith.addf %dot_general3A_31, %add3A_35 : vector<4x1xf32>
    %neg3A = arith.constant 0.000000e+00 : f32
    %neg3A_37 = vector.broadcast %neg3A : f32 to vector<4x1xf32>
    %neg3A_38 = arith.subf %neg3A_37, %add3A_36 : vector<4x1xf32>
    %exp3A = math.exp %neg3A_38 : vector<4x1xf32>
    %add3A_39 = arith.constant 1.000000e+00 : f32
    %add3A_40 = vector.broadcast %add3A_39 : f32 to vector<4x1xf32>
    %add3A_41 = arith.addf %add3A_40, %exp3A : vector<4x1xf32>
    %div3A = arith.constant 1.000000e+00 : f32
    %div3A_42 = vector.broadcast %div3A : f32 to vector<4x1xf32>
    %div3A_43 = arith.divf %div3A_42, %add3A_41 : vector<4x1xf32>
    %get3A_44 = arith.constant 0 : index
    %get3A_45 = arith.constant 0 : index
    %get3A_46 = vector.load %arg8[%get3A_44, %get3A_45] : memref<256x128xf32, #tpu.memory_space<vmem>>, vector<256x128xf32>
    %dot_general3A_47 = arith.constant dense<0.000000e+00> : vector<4x128xf32>
    %dot_general3A_48 = tpu.matmul %max3A_13, %get3A_46, %dot_general3A_47 {dimension_numbers = #tpu.dot_dimension_numbers<[1], [0], [0], [1], [0, 0, 1, 1], [], []>, transpose_lhs_hint = false} : vector<4x256xf32>, vector<256x128xf32>, vector<4x128xf32> -> vector<4x128xf32>
    %get3A_49 = arith.constant 0 : index
    %get3A_50 = arith.constant 0 : index
    %get3A_51 = vector.load %arg9[%get3A_49, %get3A_50] : memref<1x128xf32, #tpu.memory_space<vmem>>, vector<1x128xf32>
    %add3A_52 = vector.broadcast %get3A_51 : vector<1x128xf32> to vector<4x128xf32>
    %add3A_53 = arith.addf %dot_general3A_48, %add3A_52 : vector<4x128xf32>
    %max3A_54 = arith.constant 0.000000e+00 : f32
    %max3A_55 = vector.broadcast %max3A_54 : f32 to vector<4x128xf32>
    %max3A_56 = arith.maximumf %add3A_53, %max3A_55 : vector<4x128xf32>
    %get3A_57 = arith.constant 0 : index
    %get3A_58 = arith.constant 0 : index
    %get3A_59 = vector.load %arg10[%get3A_57, %get3A_58] : memref<128x1xf32, #tpu.memory_space<vmem>>, vector<128x1xf32>
    %dot_general3A_60 = arith.constant dense<0.000000e+00> : vector<4x1xf32>
    %dot_general3A_61 = tpu.matmul %max3A_56, %get3A_59, %dot_general3A_60 {dimension_numbers = #tpu.dot_dimension_numbers<[1], [0], [0], [1], [0, 0, 1, 1], [], []>, transpose_lhs_hint = false} : vector<4x128xf32>, vector<128x1xf32>, vector<4x1xf32> -> vector<4x1xf32>
    %get3A_62 = arith.constant 0 : index
    %get3A_63 = arith.constant 0 : index
    %get3A_64 = vector.load %arg11[%get3A_62, %get3A_63] : memref<1x1xf32, #tpu.memory_space<vmem>>, vector<1x1xf32>
    %add3A_65 = vector.broadcast %get3A_64 : vector<1x1xf32> to vector<4x1xf32>
    %add3A_66 = arith.addf %dot_general3A_61, %add3A_65 : vector<4x1xf32>
    %max3A_67 = arith.constant 0.000000e+00 : f32
    %max3A_68 = vector.broadcast %max3A_67 : f32 to vector<4x1xf32>
    %max3A_69 = arith.maximumf %add3A_66, %max3A_68 : vector<4x1xf32>
    %abs3A = math.absf %add3A_66 : vector<4x1xf32>
    %neg3A_70 = arith.constant 0.000000e+00 : f32
    %neg3A_71 = vector.broadcast %neg3A_70 : f32 to vector<4x1xf32>
    %neg3A_72 = arith.subf %neg3A_71, %abs3A : vector<4x1xf32>
    %exp3A_73 = math.exp %neg3A_72 : vector<4x1xf32>
    %log1p3A = math.log1p %exp3A_73 : vector<4x1xf32>
    %add3A_74 = arith.addf %max3A_69, %log1p3A : vector<4x1xf32>
    %round3A = math.roundeven %add3A_74 : vector<4x1xf32>
    %jit3A = arith.constant 1.000000e+00 : f32
    %jit3A_75 = arith.constant 2.000000e+01 : f32
    %max3A_76 = vector.broadcast %jit3A : f32 to vector<4x1xf32>
    %max3A_77 = arith.maximumf %max3A_76, %round3A : vector<4x1xf32>
    %min3A = vector.broadcast %jit3A_75 : f32 to vector<4x1xf32>
    %min3A_78 = arith.minimumf %min3A, %max3A_77 : vector<4x1xf32>
    %mul3A_79 = arith.mulf %div3A_43, %min3A_78 : vector<4x1xf32>
    %floor3A = math.floor %mul3A_79 : vector<4x1xf32>
    %max3A_80 = arith.constant 1.000000e+00 : f32
    %max3A_81 = vector.broadcast %max3A_80 : f32 to vector<4x1xf32>
    %max3A_82 = arith.maximumf %max3A_81, %floor3A : vector<4x1xf32>
    %get3A_83 = arith.constant 0 : index
    %get3A_84 = arith.constant 0 : index
    %get3A_85 = arith.constant 0 : index
    %get3A_86 = vector.load %arg1[%get3A_83, %get3A_84, %get3A_85] : memref<4x32x768xf32, #tpu.memory_space<vmem>>, vector<4x32x768xf32>
    %reshape3A = vector.shape_cast %get3A_86 : vector<4x32x768xf32> to vector<128x768xf32>
    %get3A_87 = arith.constant 0 : index
    %get3A_88 = arith.constant 0 : index
    %get3A_89 = vector.load %arg12[%get3A_87, %get3A_88] : memref<768x256xf32, #tpu.memory_space<vmem>>, vector<768x256xf32>
    %dot_general3A_90 = arith.constant dense<0.000000e+00> : vector<128x256xf32>
    %dot_general3A_91 = tpu.matmul %reshape3A, %get3A_89, %dot_general3A_90 {dimension_numbers = #tpu.dot_dimension_numbers<[1], [0], [0], [1], [0, 0, 1, 1], [], []>, transpose_lhs_hint = false} : vector<128x768xf32>, vector<768x256xf32>, vector<128x256xf32> -> vector<128x256xf32>
    %get3A_92 = arith.constant 0 : index
    %get3A_93 = arith.constant 0 : index
    %get3A_94 = vector.load %arg13[%get3A_92, %get3A_93] : memref<1x256xf32, #tpu.memory_space<vmem>>, vector<1x256xf32>
    %add3A_95 = vector.broadcast %get3A_94 : vector<1x256xf32> to vector<128x256xf32>
    %add3A_96 = arith.addf %dot_general3A_91, %add3A_95 : vector<128x256xf32>
    %max3A_97 = arith.constant 0.000000e+00 : f32
    %max3A_98 = vector.broadcast %max3A_97 : f32 to vector<128x256xf32>
    %max3A_99 = arith.maximumf %add3A_96, %max3A_98 : vector<128x256xf32>
    %get3A_100 = arith.constant 0 : index
    %get3A_101 = arith.constant 0 : index
    %get3A_102 = vector.load %arg14[%get3A_100, %get3A_101] : memref<256x768xf32, #tpu.memory_space<vmem>>, vector<256x768xf32>
    %dot_general3A_103 = arith.constant dense<0.000000e+00> : vector<128x768xf32>
    %dot_general3A_104 = tpu.matmul %max3A_99, %get3A_102, %dot_general3A_103 {dimension_numbers = #tpu.dot_dimension_numbers<[1], [0], [0], [1], [0, 0, 1, 1], [], []>, transpose_lhs_hint = false} : vector<128x256xf32>, vector<256x768xf32>, vector<128x768xf32> -> vector<128x768xf32>
    %get3A_105 = arith.constant 0 : index
    %get3A_106 = arith.constant 0 : index
    %get3A_107 = vector.load %arg15[%get3A_105, %get3A_106] : memref<1x768xf32, #tpu.memory_space<vmem>>, vector<1x768xf32>
    %add3A_108 = vector.broadcast %get3A_107 : vector<1x768xf32> to vector<128x768xf32>
    %add3A_109 = arith.addf %dot_general3A_104, %add3A_108 : vector<128x768xf32>
    %reshape3A_110 = vector.shape_cast %add3A_109 : vector<128x768xf32> to vector<4x32x768xf32>
    %iota3A = tpu.iota {dimensions = array<i32: 1>} : vector<4x32xi32>
    %convert_element_type3A = arith.sitofp %iota3A : vector<4x32xi32> to vector<4x32xf32>
    %lt3A = vector.broadcast %max3A_82 : vector<4x1xf32> to vector<4x32xf32>
    %lt3A_111 = arith.cmpf olt, %convert_element_type3A, %lt3A : vector<4x32xf32>
    %convert_element_type3A_112 = arith.extui %lt3A_111 : vector<4x32xi1> to vector<4x32xi32>
    %convert_element_type3A_113 = arith.sitofp %convert_element_type3A_112 : vector<4x32xi32> to vector<4x32xf32>
    %broadcast_in_dim3A = vector.shape_cast %convert_element_type3A_113 : vector<4x32xf32> to vector<4x32x1xf32>
    %mul3A_114 = vector.broadcast %broadcast_in_dim3A : vector<4x32x1xf32> to vector<4x32x768xf32>
    %mul3A_115 = arith.mulf %reshape3A_110, %mul3A_114 : vector<4x32x768xf32>
    %reduce_sum3A = arith.constant dense<0.000000e+00> : vector<4x768xf32>
    %reduce_sum3A_116 = vector.multi_reduction <add>, %mul3A_115, %reduce_sum3A [1] : vector<4x32x768xf32> to vector<4x768xf32>
    %mul3A_117 = vector.broadcast %broadcast_in_dim3A : vector<4x32x1xf32> to vector<4x32x768xf32>
    %mul3A_118 = arith.mulf %get3A_86, %mul3A_117 : vector<4x32x768xf32>
    %reduce_sum3A_119 = arith.constant dense<0.000000e+00> : vector<4x768xf32>
    %reduce_sum3A_120 = vector.multi_reduction <add>, %mul3A_118, %reduce_sum3A_119 [1] : vector<4x32x768xf32> to vector<4x768xf32>
    %sub3A = arith.subf %get3A_1, %reduce_sum3A_120 : vector<4x768xf32>
    %sub3A_121 = arith.constant 2.048000e+03 : f32
    %sub3A_122 = vector.broadcast %sub3A_121 : f32 to vector<4x1xf32>
    %sub3A_123 = arith.subf %sub3A_122, %max3A_82 : vector<4x1xf32>
    %div3A_124 = vector.broadcast %sub3A_123 : vector<4x1xf32> to vector<4x768xf32>
    %div3A_125 = arith.divf %sub3A, %div3A_124 : vector<4x768xf32>
    %add3A_126 = arith.addf %reduce_sum3A_116, %div3A_125 : vector<4x768xf32>
    %add3A_127 = arith.constant 1.000000e+00 : f32
    %add3A_128 = vector.broadcast %add3A_127 : f32 to vector<4x1xf32>
    %add3A_129 = arith.addf %max3A_82, %add3A_128 : vector<4x1xf32>
    %div3A_130 = vector.broadcast %add3A_129 : vector<4x1xf32> to vector<4x768xf32>
    %div3A_131 = arith.divf %add3A_126, %div3A_130 : vector<4x768xf32>
    %get3A_132 = arith.constant 0 : index
    %get3A_133 = arith.constant 0 : index
    %get3A_134 = vector.load %arg16[%get3A_132, %get3A_133] : memref<768x256xf32, #tpu.memory_space<vmem>>, vector<768x256xf32>
    %dot_general3A_135 = arith.constant dense<0.000000e+00> : vector<4x256xf32>
    %dot_general3A_136 = tpu.matmul %div3A_131, %get3A_134, %dot_general3A_135 {dimension_numbers = #tpu.dot_dimension_numbers<[1], [0], [0], [1], [0, 0, 1, 1], [], []>, transpose_lhs_hint = false} : vector<4x768xf32>, vector<768x256xf32>, vector<4x256xf32> -> vector<4x256xf32>
    %get3A_137 = arith.constant 0 : index
    %get3A_138 = arith.constant 0 : index
    %get3A_139 = vector.load %arg17[%get3A_137, %get3A_138] : memref<1x256xf32, #tpu.memory_space<vmem>>, vector<1x256xf32>
    %add3A_140 = vector.broadcast %get3A_139 : vector<1x256xf32> to vector<4x256xf32>
    %add3A_141 = arith.addf %dot_general3A_136, %add3A_140 : vector<4x256xf32>
    %max3A_142 = arith.constant 0.000000e+00 : f32
    %max3A_143 = vector.broadcast %max3A_142 : f32 to vector<4x256xf32>
    %max3A_144 = arith.maximumf %add3A_141, %max3A_143 : vector<4x256xf32>
    %get3A_145 = arith.constant 0 : index
    %get3A_146 = arith.constant 0 : index
    %get3A_147 = vector.load %arg18[%get3A_145, %get3A_146] : memref<256x768xf32, #tpu.memory_space<vmem>>, vector<256x768xf32>
    %dot_general3A_148 = arith.constant dense<0.000000e+00> : vector<4x768xf32>
    %dot_general3A_149 = tpu.matmul %max3A_144, %get3A_147, %dot_general3A_148 {dimension_numbers = #tpu.dot_dimension_numbers<[1], [0], [0], [1], [0, 0, 1, 1], [], []>, transpose_lhs_hint = false} : vector<4x256xf32>, vector<256x768xf32>, vector<4x768xf32> -> vector<4x768xf32>
    %get3A_150 = arith.constant 0 : index
    %get3A_151 = arith.constant 0 : index
    %get3A_152 = vector.load %arg19[%get3A_150, %get3A_151] : memref<1x768xf32, #tpu.memory_space<vmem>>, vector<1x768xf32>
    %add3A_153 = vector.broadcast %get3A_152 : vector<1x768xf32> to vector<4x768xf32>
    %add3A_154 = arith.addf %dot_general3A_149, %add3A_153 : vector<4x768xf32>
    %swap3A = arith.constant 0 : index
    %swap3A_155 = arith.constant 0 : index
    %swap3A_156 = vector.load %arg20[%swap3A, %swap3A_155] : memref<4x768xf32, #tpu.memory_space<vmem>>, vector<4x768xf32>
    tpu.vector_store %arg20[%swap3A, %swap3A_155], %add3A_154 {strides = array<i32>} : memref<4x768xf32, #tpu.memory_space<vmem>>, vector<4x768xf32>,
    return
  }
}

</mosaic_0001>

<sc_bundles>
// kernel: kernel.5.cloned.1.call-start
scs
__scs_entry_jumppad:
0x0: {  	(pc) =	sbr.rel $0x88, $3  }
0x1: {  	(tag) =	ssettag $0x0;
	lr =	simm.s32 $0x1  }
0x2: {  	[smem:$0x3F8B] =	sst lr;
	_ =	strace $0xD0000000  }
0x3: {  	_ = 	snop  }
0x4: {  	_ = 	snop  }
0x5: {  	_ = 	snop  }
0x6: {  	_ = 	snop  }
0x7: {  	_ = 	snop  }
__scs_overlays_trampoline_lowered:
0x8: {  	[smem:$0x3F9A] =	sst s0  }
0x9: {  	[smem:$0x3F9B] =	sst s1  }
0xa: {  	[smem:$0x3F9C] =	sst s2  }
0xb: {  	[smem:$0x3F9D] =	sst s3  }
0xc: {  	[smem:$0x3F9E] =	sst s4  }
0xd: {  	[smem:$0x3F9F] =	sst s5  }
0xe: {  	[smem:$0x3FA0] =	sst s6  }
0xf: {  	[smem:$0x3FA1] =	sst s7  }
0x10: {  	[smem:$0x3FA2] =	sst s8  }
0x11: {  	[smem:$0x3FA3] =	sst s9;
	s0 =	simm.s32 @!p0 $0x0  }
0x12: {  	s1 =	sld [smem:$0x3F89];
	s0 =	simm.s32 @p0 $0x1  }
0x13: {  	[smem:$0x3FA4] =	sst s0;
	s0 =	simm.s32 @!p1 $0x0  }
0x14: {  	s2 =	sld [smem:$0x3F88];
	s0 =	simm.s32 @p1 $0x1  }
0x15: {  	[smem:$0x3FA5] =	sst s0;
	s0 =	simm.s32 @!p2 $0x0  }
0x16: {  	s3 =	sld [smem:$0x3FDB];
	s0 =	simm.s32 @p2 $0x1  }
0x17: {  	s4 =	simm.s32 $0x1BF5;
	[smem:$0x3FA7] =	sst s0  }
0x18: {  	s0 =	sld [smem:$0x3F8A];
	_ =	swait.ge [sflag:s4], $0x0  }
0x19: {  	s7 =	sld [smem:$0x3F8B]  }
0x1a: {  	s8 =	sadd.s32 $0xFFFFE003, lr  }
0x1b: {  	s9 =	sadd.s32 $0xFFFFFEF7, lr;
	s5 =	simm.s32 $0xFFFFFFFF;
	p2 =	slt.u32 s8, $0xFFFFF086  }
0x1c: {  	p1 =	slt.u32 s9, $0xF7A;
	s5 =	simm.s32 @!p2 $0x0  }
0x1d: {  	s5 =	simm.s32 @p1 $0x1;
	p0 =	seq.s32 s7, s2  }
0x1e: {  	s7 =	smul.u32 @!p0 $0xF7A, s2;
	p2 =	seq.s32 @!p0 s5, $0x0  }
0x1f: {  	s9 =	smul.u32 $0xF7A, s1;
	s8 =	simm.s32 @!p0 $0x1BF5;
	p2 =	por !p2, p0  }
0x20: {  	[sflag:s8] =	ssyncset.s32 @!p0 $0xFFFFF086;
	s6 =	sadd.s32 @!p0 s3, s7;
	s7 =	simm.s32 @!p0 $0x108  }
0x21: {  	s3 =	sadd.s32 s3, s9;
	s6 =	sadd.s32 @!p0 $0x88, s6;
	s7 =	simm.s32 @p2 $0x1082  }
0x22: {  	[simem:s7], [sflag:s8] =	dma.local @!p0 [hbm:s6], $0xF7A  }
0x23: {  	s9 =	sor.u32 $0xD0000000, s2;
	s6 =	simm.s32 $0x108;
	_ =	swait.ge @!p0 [sflag:s8], $0x0  }
0x24: {  	s3 =	sadd.s32 $0x88, s3;
	s6 =	simm.s32 @!p1 $0x1082;
	[sflag:s4] =	ssyncset.s32 $0xFFFFF086  }
0x25: {  	[simem:s6], [sflag:s4] =	dma.local [hbm:s3], $0xF7A  }
0x26: {  	[smem:$0x3F8B] =	sst s1;
	(tag) =	ssettag s2;
	_ =	strace s9  }
0x27: {  	s1 =	sld [smem:$0x3F9B]  }
0x28: {  	s2 =	sld [smem:$0x3F9C]  }
0x29: {  	s4 =	sld [smem:$0x3F9E]  }
0x2a: {  	p0 =	seq.s32 s5, $0x0;
	s5 =	sld [smem:$0x3F9F]  }
0x2b: {  	s6 =	sld [smem:$0x3FA0]  }
0x2c: {  	s7 =	sld [smem:$0x3FA1]  }
0x2d: {  	s3 =	simm.s32 $0x108;
	s8 =	sld [smem:$0x3FA2]  }
0x2e: {  	s3 =	simm.s32 @!p0 $0x1082;
	s9 =	sld [smem:$0x3FA3]  }
0x2f: {  	lr =	sadd.s32 s0, s3;
	s0 =	sld [smem:$0x3F9A]  }
0x30: {  	s3 =	sld [smem:$0x3F9D]  }
0x31: {  	[smem:$0x3FA6] =	sst s10  }
0x32: {  	s10 =	sld [smem:$0x3FA4];
	_ =	sdelay $0x3  }
0x33: {  	p0 =	seq.s32 s10, $0x1;
	s10 =	sld [smem:$0x3FA6];
	_ =	sdelay $0x3  }
0x34: {  	[smem:$0x3FA6] =	sst s10  }
0x35: {  	s10 =	sld [smem:$0x3FA5];
	_ =	sdelay $0x3  }
0x36: {  	p1 =	seq.s32 s10, $0x1;
	s10 =	sld [smem:$0x3FA6];
	_ =	sdelay $0x3  }
0x37: {  	[smem:$0x3FA6] =	sst s10  }
0x38: {  	s10 =	sld [smem:$0x3FA7]  }
0x39: {  	_ = 	snop;
	(pc) =	sbr.ind lr, $3  }
0x3a: {  	_ = 	snop  }
0x3b: {  	_ = 	snop  }
0x3c: {  	p2 =	seq.s32 s10, $0x1;
	s10 =	sld [smem:$0x3FA6]  }
0x3d: {  	_ =	shalt  }
0x3e: {  	_ =	shalt  }
0x3f: {  	_ =	shalt  }
0x40: {  	_ =	shalt  }
0x41: {  	_ =	shalt  }
0x42: {  	_ =	shalt  }
0x43: {  	_ =	shalt  }
0x44: {  	_ =	shalt  }
0x45: {  	_ =	shalt  }
0x46: {  	_ =	shalt  }
0x47: {  	_ =	shalt  }
0x48: {  	_ =	shalt  }
0x49: {  	_ =	shalt  }
0x4a: {  	_ =	shalt  }
0x4b: {  	_ =	shalt  }
0x4c: {  	_ =	shalt  }
0x4d: {  	_ =	shalt  }
0x4e: {  	_ =	shalt  }
0x4f: {  	_ =	shalt  }
0x50: {  	_ =	shalt  }
0x51: {  	_ =	shalt  }
0x52: {  	_ =	shalt  }
0x53: {  	_ =	shalt  }
0x54: {  	_ =	shalt  }
0x55: {  	_ =	shalt  }
0x56: {  	_ =	shalt  }
0x57: {  	_ =	shalt  }
0x58: {  	_ =	shalt  }
0x59: {  	_ =	shalt  }
0x5a: {  	_ =	shalt  }
0x5b: {  	_ =	shalt  }
0x5c: {  	_ =	shalt  }
0x5d: {  	_ =	shalt  }
0x5e: {  	_ =	shalt  }
0x5f: {  	_ =	shalt  }
0x60: {  	_ =	shalt  }
0x61: {  	_ =	shalt  }
0x62: {  	_ =	shalt  }
0x63: {  	_ =	shalt  }
0x64: {  	_ =	shalt  }
0x65: {  	_ =	shalt  }
0x66: {  	_ =	shalt  }
0x67: {  	_ =	shalt  }
0x68: {  	_ =	shalt  }
0x69: {  	_ =	shalt  }
0x6a: {  	_ =	shalt  }
0x6b: {  	_ =	shalt  }
0x6c: {  	_ =	shalt  }
0x6d: {  	_ =	shalt  }
0x6e: {  	_ =	shalt  }
0x6f: {  	_ =	shalt  }
0x70: {  	_ =	shalt  }
0x71: {  	_ =	shalt  }
0x72: {  	_ =	shalt  }
0x73: {  	_ =	shalt  }
0x74: {  	_ =	shalt  }
0x75: {  	_ =	shalt  }
0x76: {  	_ =	shalt  }
0x77: {  	_ =	shalt  }
0x78: {  	_ =	shalt  }
0x79: {  	_ =	shalt  }
0x7a: {  	_ =	shalt  }
0x7b: {  	_ =	shalt  }
0x7c: {  	_ =	shalt  }
0x7d: {  	_ =	shalt  }
0x7e: {  	_ =	shalt  }
0x7f: {  	_ =	shalt  }
0x80: {  	_ =	shalt  }
0x81: {  	_ =	shalt  }
0x82: {  	_ =	shalt  }
0x83: {  	_ =	shalt  }
0x84: {  	_ =	shalt  }
0x85: {  	_ =	shalt  }
0x86: {  	_ =	shalt  }
0x87: {  	_ =	shalt  }
.Lfunc_end0:
.L_simem_size_0:
called_computation_lowered:
.L_overlay_start_0:
0x88: {  	s2 =	sld [smem:$0x3FD9]  }
0x89: {  	s3 =	sld [smem:$0x3FFE];
	_ =	sdelay $0x1  }
0x8a: {  	s1 =	srdreg.scid  }
0x8b: {  	s0 =	sand.u32 $0x1, s1  }
0x8c: {  	s17 =	sshll.u32 s0, $0xA;
	s2 =	sadd.s32 s3, s2  }
0x8d: {  	s2 =	sadd.s32 s2, s17  }
0x8e: {  	[smem:$0x3FB2] =	sst s2  }
0x8f: {  	_ = 	snop  }
0x90: {  	s2 =	sld [smem:$0x3FC9];
	(tm) =	ssettm $0x1  }
0x91: {  	s18 =	sld [smem:$0x3FFB];
	_ =	sdelay $0x3  }
0x92: {  	_ =	strace s18  }
0x93: {  	s3 =	sld [smem:$0x3FFC];
	_ =	sdelay $0x3  }
0x94: {  	_ =	strace s3  }
0x95: {  	s3 =	sld [smem:$0x3FFD];
	_ =	sdelay $0x3  }
0x96: {  	_ =	strace s3  }
0x97: {  	_ =	strace $0x8FFFFFFF  }
0x98: {  	s19 =	sld [smem:$0x3FDB];
	_ =	sdelay $0x1  }
0x99: {  	s4 =	simm.s32 $_scs_section_size  }
0x9a: {  	s5 =	simm.s32 $_size__tile_overlayer_lowered;
	s6 =	simm.s32 $_tile_overlayer_lowered  }
0x9b: {  	s22 =	simm.s32 $0x1BFF;
	s21 =	sshll.u32 s6, $0x1;
	s3 =	sadd.s32 s4, s19  }
0x9c: {  	s7 =	simm.s32 $0x0;
	s20 =	sshll.u32 s5, $0x1;
	s5 =	sadd.s32 s21, s3  }
0x9d: {  	[timem:s7], [sflag:s22] =	dma.local [hbm:s5], s20  }
0x9e: {  	_ =	swait.ge [sflag:s22], s20  }
0x9f: {  	s4 =	ssub.s32 $0x0, s20;
	[sflag:s22] =	ssyncset.done $0x0  }
0xa0: {  	[sflag:s22] =	ssyncadd.s32 s4;
	_ =	sdelay $0x1  }
0xa1: {  	s23 =	simm.s32 $0x1B8B  }
0xa2: {  	_ =	swait.ge [sflag:s23], $0x1  }
0xa3: {  	[sflag:s23] =	ssyncset.done $0x0  }
0xa4: {  	s25 =	simm.s32 $0x1B8E;
	s24 =	sld [smem:$0x3FFE];
	[sflag:s23] =	ssyncadd.s32 $0xFFFFFFFF  }
0xa5: {  	s26 =	simm.s32 $execute0_lowered;
	[smem:$0x3FD2] =	sst s25  }
0xa6: {  	s5 =	sshll.u32 s26, $0x1;
	_ =	strace $0x80000046;
	[dreg:$0x1] =	wrdreg $0xFFFFFFFF  }
0xa7: {  	s28 =	simm.s32 $_size_execute0_lowered;
	s3 =	sadd.s32 s3, s5;
	[dreg:$0x0] =	wrdreg $0x0  }
0xa8: {  	s5 =	sshll.u32 s28, $0x1;
	[dreg:$0x2] =	wrdreg s3  }
0xa9: {  	[dreg:$0x3] =	wrdreg s5  }
0xaa: {  	[dreg:$0x4] =	wrdreg $0xC0  }
0xab: {  	_ =	task [dreg:s7], $0x5FFFF  }
0xac: {  	[dreg:$0x1] =	wrdreg $0xFFFFFFFF  }
0xad: {  	[dreg:$0x0] =	wrdreg $0x60  }
0xae: {  	[dreg:$0x2] =	wrdreg s24  }
0xaf: {  	[dreg:$0x3] =	wrdreg s2  }
0xb0: {  	[dreg:$0x4] =	wrdreg $0x1D000  }
0xb1: {  	[dreg:$0x5] =	wrdreg $0x1D200  }
0xb2: {  	[dreg:$0x6] =	wrdreg $0x9  }
0xb3: {  	_ =	task.clear_ibuf [dreg:s7], $0x7FFFF;
	_ =	strace $0x90000046  }
0xb4: {  	s29 =	simm.s32 $0x9;
	_ =	strace $0x80000048  }
0xb5: {  	_ =	swait.ge [sflag:s29], $0x1  }
0xb6: {  	[sflag:s29] =	ssyncadd.s32 $0xFFFFFFFF  }
0xb7: {  	_ =	strace $0x90000048  }
0xb8: {  	_ =	sfence  }
0xb9: {  	s30 =	sld [smem:$0x0];
	_ =	sdelay $0x2  }
0xba: {  	s31 =	sshll.u32 s1, $0xD;
	s1 =	sshrl.u32 s1, $0x2  }
0xbb: {  	s3 =	sand.u32 $0x4000, s31;
	s1 =	sadd.s32 s1, s30  }
0xbc: {  	s0 =	sor.u32 s3, s0;
	s1 =	sshll.u32 s1, $0x11  }
0xbd: {  	s0 =	sor.u32 s1, s0  }
0xbe: {  	s0 =	sadd.s32 $0x8F2B, s0  }
0xbf: {  	[sflag:s0] =	ssyncadd.remote.s32 $0x1  }
0xc0: {  	_ =	sfence.sel $0xFFFF  }
0xc1: {  	[dreg:$0x0] =	wrdreg $0xFFFFFFFF;
	(pc) =	sbr.abs _section_cstart, $3  }
0xc2: {  	[dreg:$0x1] =	wrdreg $0xFFFFFFFF  }
0xc3: {  	_ =	task.clear_ibuf [dreg:s7], $0x2FFFF;
	_ =	strace $0x9FFFFFFF  }
0xc4: {  	(tm) =	ssettm $0x7FFFFFFF  }
0xc5: {  	_ =	shalt  }
tec
execute0_lowered:
.L_overlay_start_1:
0x0: {  	(tag) =	ssettag $0x1  }
0x1: {  	s9 =	rddreg [dreg:$0x0]  }
0x2: {  	s3 =	rddreg [dreg:$0x1]  }
0x3: {  	s1 =	srdreg.scid;
	s10 =	rddreg [dreg:$0x2];
	v12 =	vimm.s32 $0xBA98FEDC  }
0x4: {  	s0 =	stileid.u32;
	s12 =	rddreg [dreg:$0x3];
	s5 =	simm.s32 $0x0;
	v13 =	vimm.s32 $0x32107654;
	v18 =	vimm.s32 $0x76543210;
	v19 =	vimm.s32 $0xFEDCBA98  }
0x5: {  	v0 =	vlaneseq.u32;
	v20 =	vimm.s32 $0xDCFE98BA;
	v22 =	vimm.s32 $0x67452301;
	s17 =	simm.s32 $0x200;
	s18 =	simm.s32 $0x2;
	s19 =	simm.s32 $0x300  }
0x6: {  	s20 =	simm.s32 $0x380;
	vm0 =	vmmov $0x1;
	vm1 =	vcmask $0x320;
	vm2 =	vcmask $0x720;
	s28 =	simm.s32 $0x1480;
	s29 =	simm.s32 $0x0  }
0x7: {  	vm3 =	vcmask $0xB20;
	vm4 =	vcmask $0xF20;
	vm5 =	vcmask $0x1320;
	s6 =	sand.u32 $0x1, s1;
	s7 =	sshrl.u32 s0, $0x3;
	s25 =	sand.u32 $0x7, s0  }
0x8: {  	vm6 =	vcmask $0x1720;
	vm7 =	vcmask $0x1B20;
	v3 =	vor.u32 $0x10, v0;
	[smem:$0x7FF] =	sst s5;
	s23 =	sshll.u32 s0, $0x5;
	s24 =	sshll.u32 s0, $0x6  }
0x9: {  	v4 =	vor.u32 $0x20, v0;
	v5 =	vor.u32 $0x30, v0;
	v6 =	vor.u32 $0x40, v0;
	s1 =	sshll.u32 s6, $0x1;
	s13 =	smul.u32 $0x1800, s25;
	s14 =	sshll.u32 s25, $0x7  }
0xa: {  	v7 =	vor.u32 $0x50, v0;
	v16 =	vunpack.c.l.s4.s8 v12;
	v17 =	vunpack.c.l.s4.s8 v13;
	_ =	strace $0x80000047;
	s6 =	ssub.s32 $0x2, s6;
	s15 =	sshll.u32 s7, $0x7  }
0xb: {  	v8 =	vor.u32 $0x60, v0;
	v9 =	vor.u32 $0x70, v0;
	v10 =	vor.u32 $0x80, v0;
	s31 =	sshll.u32 s25, $0x3;
	p0 =	sne.s32 s25, $0x0;
	p1 =	sgt.u32 s25, $0x3  }
0xc: {  	v11 =	vor.u32 $0x90, v0;
	s8 =	sor.u32 s7, s1;
	s1 =	sshll.u32 s25, $0x8;
	s21 =	sadd.s32 s14, s9;
	v16 =	vunpack.c.0.s8.s32 v16;
	v17 =	vunpack.c.0.s8.s32 v17  }
0xd: {  	v12 =	vor.u32 $0xA0, v0;
	v13 =	vor.u32 $0xB0, v0;
	v14 =	vor.u32 $0xC0, v0;
	s30 =	sshrl.u32 s6, $0x1;
	s25 =	simm.s32 $0x480;
	s11 =	smul.u32 $0x6000, s8  }
0xe: {  	v19 =	vunpack.c.l.s4.s8 v19;
	v22 =	vunpack.c.l.s4.s8 v22;
	s2 =	sshll.u32 s8, $0xB;
	s8 =	sshll.u32 s8, $0x4;
	s16 =	ssub.s32 s6, s30;
	v21 =	vcombine.low v17, v16  }
0xf: {  	v16 =	vunpack.c.l.s4.s8 v20;
	v17 =	vimm.s32 $0x54761032;
	s8 =	sadd.s32 s8, s21;
	v20 =	vimm.s32 $0xEFCDAB89;
	s21 =	simm.s32 $0x100;
	s11 =	sadd.s32 s13, s11  }
0x10: {  	v15 =	vor.u32 $0xD0, v0;
	v17 =	vunpack.c.l.s4.s8 v17;
	s6 =	sadd.s32 $0x2800, s8;
	v20 =	vunpack.c.l.s4.s8 v20;
	s13 =	sadd.s32 $0x200, s3;
	s11 =	sshrl.u32 s11, $0x3  }
0x11: {  	v18 =	vunpack.c.l.s4.s8 v18;
	v19 =	vunpack.c.0.s8.s32 v19;
	v22 =	vunpack.c.0.s8.s32 v22;
	s22 =	sadd.s32 s11, s9;
	s9 =	sand.u32 $0x60, s23;
	s11 =	sand.u32 $0x100, s24  }
.Ltmp0:
0x12: {  	v16 =	vunpack.c.0.s8.s32 v16;
	v17 =	vunpack.c.0.s8.s32 v17;
	v20 =	vunpack.c.0.s8.s32 v20;
	s24 =	simm.s32 $0x1C80;
	s26 =	sor.u32 s9, s11;
	(pc) =	sbr.rel .LBB2_1-.Ltmp0, $4  }
0x13: {  	v18 =	vunpack.c.0.s8.s32 v18;
	v1 =	vmov s1;
	v2 =	vmov s2;
	s9 =	sadd.s32 s15, s12;
	s14 =	sadd.s32 $0x2C00, s22;
	s11 =	sor.u32 s15, s26  }
0x14: {  	v19 =	vand.u32 $0xF, v19;
	s22 =	simm.s32 $0x1;
	v23 =	vcombine.low v17, v16;
	v22 =	vcombine.low v22, v20;
	s26 =	simm.s32 $0xC80;
	s7 =	sadd.s32 s11, s10  }
0x15: {  	v18 =	vcombine.low v19, v18;
	v19 =	vand.u32 $0xF, v21;
	v16 =	vor.u32 $0xE0, v0;
	s8 =	sadd.s32 s11, s12;
	s10 =	sadd.s32 s15, s10;
	s11 =	sadd.s32 s31, s9  }
0x16: {  	v17 =	vor.u32 $0xF0, v0;
	s12 =	sadd.s32 $0x100, s3;
	s15 =	smax.u32 s16, $0x1;
	s16 =	simm.s32 $0x80;
	v20 =	vand.u32 $0xF, v23;
	v21 =	vand.u32 $0xF, v22  }
.LBB2_8:
0x17: {  	[tilespmem:s24], [sflag:$0x2] =	stream.linear.gather [spmem:s11], $0x8, $0x38;
	[tilespmem:$0x1D40] =	vst v63  }
0x18: {  	_ =	swait.ge [sflag:s18], $0x8  }
0x19: {  	[sflag:s18] =	ssyncset.done $0x0  }
0x1a: {  	[sflag:s18] =	ssyncadd.s32 $0xFFFFFFF8  }
0x1b: {  	v22 =	vld.msk [tilespmem:$0x1C80], $0xff;
	_ =	sdelay $0x4  }
0x1c: {  	v23 =	vshrl.u32 v22, $0x3  }
0x1d: {  	v23 =	vmul.u32 $0x30, v23  }
0x1e: {  	v22 =	vand.u32 $0x7, v22  }
0x1f: {  	v24 =	vshrl.u32 v0, $0x3;
	v22 =	vor.u32 v22, v23;
	v23 =	vand.u32 $0x7, v0  }
0x20: {  	v22 =	vperm.xlane v22, v23;
	v23 =	vmul.u32 $0x8, v24;
	_ =	sdelay $0x1  }
0x21: {  	v22 =	vadd.s32 v23, v22;
	_ =	sdelay $0x3  }
0x22: {  	vm8 =	vmmov $0xffff;
	s0 =	rddreg [dreg:$0x1]  }
0x23: {  	[tilespmem:s25], [sflag:$0x1] =	stream.indirect_vreg.gather [hbm4b:s0+s5], $0x80, v22, vm8, $0xb8;
	[tilespmem:$0x1D40] =	vst v63  }
0x24: {  	_ = 	snop  }
0x25: {  	[tilespmem:s26], [sflag:$0x1] =	stream.indirect_vreg.gather [hbm4b:s12+s5], $0x80, v22, vm8, $0xb8;
	[tilespmem:$0x1D40] =	vst v63  }
0x26: {  	_ = 	snop  }
0x27: {  	[tilespmem:s28], [sflag:$0x1] =	stream.indirect_vreg.gather [hbm4b:s13+s5], $0x80, v22, vm8, $0xb8;
	[tilespmem:$0x1D40] =	vst v63  }
0x28: {  	_ =	swait.ge [sflag:s22], $0x1800  }
0x29: {  	[sflag:s22] =	ssyncset.done $0x0  }
0x2a: {  	[sflag:s22] =	ssyncadd.s32 $0xFFFFE800  }
0x2b: {  	[hbm4b:s14+s5] =	stream.linear.scatter [tilespmem:s25], [sflag:$0x2], $0x1800, $0x38;
	[tilespmem:$0x1D40] =	vst v63  }
0x2c: {  	_ =	swait.ge [sflag:s18], $0x1800  }
0x2d: {  	[sflag:s18] =	ssyncset.done $0x0  }
0x2e: {  	[sflag:s18] =	ssyncadd.s32 $0xFFFFE800  }
.LBB2_9:
0x2f: {  	s29 =	sadd.s32 $0x1, s29  }
0x30: {  	p2 =	sne.s32 s29, s15  }
.Ltmp1:
0x31: {  	_ = 	snop;
	(pc) =	sbr.rel @!p2 .LBB2_10-.Ltmp1, $1  }
0x32: {  	_ =	sdelay $0x3  }
.LBB2_1:
0x33: {  	[tilespmem:s5], [sflag:$0x2] =	stream.strided.gather [hbm4b:s6+s16], $0x100, s17, s16, $0x38;
	[tilespmem:$0x1D40] =	vst v63  }
0x34: {  	_ =	swait.ge [sflag:s18], $0x100  }
0x35: {  	[sflag:s18] =	ssyncset.done $0x0  }
0x36: {  	v23 =	vimm.f32 $-3.000000010e+38;
	[sflag:s18] =	ssyncadd.s32 $0xFFFFFF00  }
0x37: {  	v22 =	vimm.s32 $0x0;
	s31 =	simm.s32 $0x1;
	s4 =	simm.s32 $0x0;
	v25 =	vimm.f32 $-3.000000010e+38;
	v24 =	vimm.s32 $0x0;
	v26 =	vld [tilespmem:$0x0]  }
.LBB2_2:
0x38: {  	p2 =	sne.s32 s31, $0x13  }
0x39: {  	v27 =	vld [tilespmem:$0x10];
	_ =	sdelay $0x1  }
0x3a: {  	v28 =	vld [tilespmem:$0x20]  }
0x3b: {  	vm8 =	vgt.f32 v26, $-3.000000010e+38  }
0x3c: {  	v26 =	vnsel vm8, $0xFF61B1E6, v26;
	v29 =	vld [tilespmem:$0x30]  }
0x3d: {  	vm8 =	vgt.f32 v27, v26  }
0x3e: {  	v26 =	vsel vm8, v27, v26;
	v27 =	vld [tilespmem:$0x40]  }
0x3f: {  	vm9 =	vgt.f32 v28, v26  }
0x40: {  	v26 =	vsel vm9, v28, v26;
	v28 =	vld [tilespmem:$0x50]  }
0x41: {  	vm10 =	vgt.f32 v29, v26  }
0x42: {  	v26 =	vsel vm10, v29, v26;
	v29 =	vld [tilespmem:$0x60]  }
0x43: {  	vm11 =	vgt.f32 v27, v26  }
0x44: {  	v26 =	vsel vm11, v27, v26;
	v27 =	vld [tilespmem:$0x70]  }
0x45: {  	vm12 =	vgt.f32 v28, v26  }
0x46: {  	v26 =	vsel vm12, v28, v26;
	v28 =	vld [tilespmem:$0x80]  }
0x47: {  	vm13 =	vgt.f32 v29, v26  }
0x48: {  	v26 =	vsel vm13, v29, v26;
	v29 =	vld [tilespmem:$0x90]  }
0x49: {  	vm14 =	vgt.f32 v27, v26  }
0x4a: {  	v26 =	vsel vm14, v27, v26;
	v27 =	vld [tilespmem:$0xA0]  }
0x4b: {  	vm15 =	vgt.f32 v28, v26  }
0x4c: {  	v30 =	vsel vm8, v3, v0;
	v26 =	vsel vm15, v28, v26;
	v28 =	vld [tilespmem:$0xB0]  }
0x4d: {  	v30 =	vsel vm9, v4, v30;
	vm8 =	vgt.f32 v29, v26  }
0x4e: {  	v30 =	vsel vm10, v5, v30;
	v26 =	vsel vm8, v29, v26;
	v29 =	vld [tilespmem:$0xC0]  }
0x4f: {  	v30 =	vsel vm11, v6, v30;
	vm9 =	vgt.f32 v27, v26  }
0x50: {  	v30 =	vsel vm12, v7, v30;
	v26 =	vsel vm9, v27, v26;
	v27 =	vld [tilespmem:$0xD0]  }
0x51: {  	v30 =	vsel vm13, v8, v30;
	vm10 =	vgt.f32 v28, v26  }
0x52: {  	v30 =	vsel vm14, v9, v30;
	v26 =	vsel vm10, v28, v26;
	v28 =	vld [tilespmem:$0xE0]  }
0x53: {  	v30 =	vsel vm15, v10, v30;
	vm11 =	vgt.f32 v29, v26  }
0x54: {  	v30 =	vsel vm8, v11, v30;
	v26 =	vsel vm11, v29, v26;
	v29 =	vld [tilespmem:$0xF0]  }
0x55: {  	v30 =	vsel vm9, v12, v30;
	vm8 =	vgt.f32 v27, v26  }
0x56: {  	v26 =	vsel vm8, v27, v26;
	v27 =	vsel vm10, v13, v30  }
0x57: {  	vm9 =	vgt.f32 v28, v26;
	v27 =	vsel vm11, v14, v27  }
0x58: {  	v26 =	vsel vm9, v28, v26;
	v27 =	vsel vm8, v15, v27  }
0x59: {  	vm8 =	vgt.f32 v29, v26;
	v27 =	vsel vm9, v16, v27  }
0x5a: {  	v27 =	vsel vm8, v17, v27  }
0x5b: {  	v26 =	vsel vm8, v29, v26;
	v27 =	vadd.s32 v1, v27  }
0x5c: {  	v28 =	vperm.xlane v26, v18;
	v29 =	vperm.xlane v27, v18;
	_ =	sdelay $0x1  }
0x5d: {  	vm8 =	veq.f32 v28, v26;
	vm9 =	vlt.s32 v29, v27  }
0x5e: {  	vm10 =	vgt.f32 v28, v26;
	vm8 =	vmand vm8, vm9  }
0x5f: {  	vm8 =	vmor vm10, vm8  }
0x60: {  	v26 =	vsel vm8, v28, v26;
	v27 =	vsel vm8, v29, v27  }
0x61: {  	v28 =	vperm.xlane v26, v19;
	v29 =	vperm.xlane v27, v19;
	_ =	sdelay $0x1  }
0x62: {  	vm8 =	vgt.f32 v28, v26;
	vm9 =	veq.f32 v28, v26;
	vm10 =	vlt.s32 v29, v27  }
0x63: {  	vm9 =	vmand vm9, vm10  }
0x64: {  	vm8 =	vmor vm8, vm9  }
0x65: {  	v26 =	vsel vm8, v28, v26;
	v27 =	vsel vm8, v29, v27  }
0x66: {  	v28 =	vperm.xlane v26, v20;
	v29 =	vperm.xlane v27, v20;
	_ =	sdelay $0x1  }
0x67: {  	vm8 =	veq.f32 v28, v26;
	vm9 =	vlt.s32 v29, v27  }
0x68: {  	vm10 =	vgt.f32 v28, v26;
	vm8 =	vmand vm8, vm9  }
0x69: {  	vm8 =	vmor vm10, vm8  }
0x6a: {  	v26 =	vsel vm8, v28, v26;
	v27 =	vsel vm8, v29, v27  }
0x6b: {  	v28 =	vperm.xlane v26, v21;
	v29 =	vperm.xlane v27, v21  }
0x6c: {  	p3 =	slt.u32 s4, $0x10;
	s30 =	smov.u32 s4  }
0x6d: {  	s0 =	sadd.s32 $0xFFFFFFF0, s4;
	s30 =	simm.s32 @!p3 $0x63;
	p3 =	sgt.u32 s4, $0xF;
	vm8 =	veq.f32 v28, v26;
	vm9 =	vlt.s32 v29, v27  }
0x6e: {  	s4 =	smov.u32 s31;
	s0 =	simm.s32 @!p3 $0x63;
	v30 =	vmov s30;
	vm10 =	vgt.f32 v28, v26;
	vm8 =	vmand vm8, vm9  }
0x6f: {  	vm9 =	veq.s32 v30, v0;
	v30 =	vmov s0;
	vm8 =	vmor vm10, vm8  }
0x70: {  	v26 =	vsel vm8, v28, v26;
	v27 =	vsel vm8, v29, v27;
	vm8 =	veq.s32 v30, v0  }
0x71: {  	v23 =	vsel vm9, v26, v23;
	v22 =	vsel vm9, v27, v22;
	(v2sf) =	vpush v27, $0x0  }
0x72: {  	v25 =	vsel vm8, v26, v25;
	v24 =	vsel vm8, v27, v24;
	_ =	sdelay $0xd  }
0x73: {  	s0 =	spop (v2sf)  }
0x74: {  	s30 =	ssub.s32 s0, s1;
	s23 =	sand.u32 $0xF, s0;
	s0 =	sand.u32 $0x70, s0  }
0x75: {  	s30 =	sand.u32 $0xFFFFFF80, s30  }
0x76: {  	s0 =	sor.u32 s0, s30  }
0x77: {  	v26 =	vld [tilespmem:s0+$0x0];
	_ =	sdelay $0x2  }
.Ltmp2:
0x78: {  	v27 =	vmov s23;
	(pc) =	sbr.rel @p2 .LBB2_2-.Ltmp2, $4  }
0x79: {  	vm8 =	veq.s32 v27, v0  }
0x7a: {  	v26 =	vsel vm8, $0xFF61B1E6, v26  }
0x7b: {  	[tilespmem:s0+$0x0] =	vst v26  }
0x7c: {  	s31 =	sadd.s32 $0x1, s31;
	v26 =	vld [tilespmem:$0x0]  }
0x7d: {  	_ = 	snop  }
0x7e: {  	v27 =	vld [tilespmem:$0x10];
	_ =	sdelay $0x1  }
0x7f: {  	v28 =	vld [tilespmem:$0x20]  }
0x80: {  	vm8 =	vgt.f32 v26, $-3.000000010e+38  }
0x81: {  	v29 =	vld [tilespmem:$0x30];
	v26 =	vnsel vm8, $0xFF61B1E6, v26  }
0x82: {  	vm8 =	vgt.f32 v27, v26  }
0x83: {  	v45 =	vld [tilespmem:$0x40];
	v26 =	vsel vm8, v27, v26  }
0x84: {  	vm9 =	vgt.f32 v28, v26  }
0x85: {  	v46 =	vld [tilespmem:$0x50];
	v26 =	vsel vm9, v28, v26  }
0x86: {  	vm10 =	vgt.f32 v29, v26  }
0x87: {  	v47 =	vld [tilespmem:$0x60];
	v26 =	vsel vm10, v29, v26  }
0x88: {  	vm11 =	vgt.f32 v45, v26  }
0x89: {  	v48 =	vld [tilespmem:$0x70];
	v26 =	vsel vm11, v45, v26  }
0x8a: {  	vm12 =	vgt.f32 v46, v26  }
0x8b: {  	v49 =	vld [tilespmem:$0x80];
	v26 =	vsel vm12, v46, v26  }
0x8c: {  	vm13 =	vgt.f32 v47, v26  }
0x8d: {  	v50 =	vld [tilespmem:$0x90];
	v26 =	vsel vm13, v47, v26  }
0x8e: {  	vm14 =	vgt.f32 v48, v26  }
0x8f: {  	v51 =	vld [tilespmem:$0xA0];
	v26 =	vsel vm14, v48, v26  }
0x90: {  	vm15 =	vgt.f32 v49, v26  }
0x91: {  	v52 =	vld [tilespmem:$0xB0];
	v30 =	vsel vm8, v3, v0;
	v26 =	vsel vm15, v49, v26  }
0x92: {  	v30 =	vsel vm9, v4, v30;
	vm8 =	vgt.f32 v50, v26  }
0x93: {  	v53 =	vld [tilespmem:$0xC0];
	v30 =	vsel vm10, v5, v30;
	v26 =	vsel vm8, v50, v26  }
0x94: {  	v30 =	vsel vm11, v6, v30;
	vm9 =	vgt.f32 v51, v26  }
0x95: {  	v54 =	vld [tilespmem:$0xD0];
	v30 =	vsel vm12, v7, v30;
	v26 =	vsel vm9, v51, v26  }
0x96: {  	v30 =	vsel vm13, v8, v30;
	vm10 =	vgt.f32 v52, v26  }
0x97: {  	v55 =	vld [tilespmem:$0xE0];
	v30 =	vsel vm14, v9, v30;
	v26 =	vsel vm10, v52, v26  }
0x98: {  	v30 =	vsel vm15, v10, v30;
	vm12 =	vgt.f32 v53, v26  }
0x99: {  	v56 =	vld [tilespmem:$0xF0];
	v30 =	vsel vm8, v11, v30;
	v26 =	vsel vm12, v53, v26  }
0x9a: {  	v30 =	vsel vm9, v12, v30;
	vm8 =	vgt.f32 v54, v26  }
0x9b: {  	v57 =	vsel vm10, v13, v30;
	v26 =	vsel vm8, v54, v26  }
0x9c: {  	v27 =	vsel vm12, v14, v57;
	vm13 =	vgt.f32 v55, v26  }
0x9d: {  	v27 =	vsel vm8, v15, v27;
	v26 =	vsel vm13, v55, v26  }
0x9e: {  	v27 =	vsel vm13, v16, v27;
	vm8 =	vgt.f32 v56, v26  }
0x9f: {  	v27 =	vsel vm8, v17, v27  }
0xa0: {  	v26 =	vsel vm8, v56, v26;
	v27 =	vadd.s32 v1, v27  }
0xa1: {  	v58 =	vperm.xlane v26, v18;
	v59 =	vperm.xlane v27, v18;
	_ =	sdelay $0x1  }
0xa2: {  	vm8 =	veq.f32 v58, v26;
	vm14 =	vlt.s32 v59, v27  }
0xa3: {  	vm15 =	vgt.f32 v58, v26;
	vm8 =	vmand vm8, vm14  }
0xa4: {  	vm8 =	vmor vm15, vm8  }
0xa5: {  	v26 =	vsel vm8, v58, v26;
	v27 =	vsel vm8, v59, v27  }
0xa6: {  	v28 =	vperm.xlane v26, v19;
	v29 =	vperm.xlane v27, v19;
	_ =	sdelay $0x1  }
0xa7: {  	vm8 =	veq.f32 v28, v26;
	vm12 =	vlt.s32 v29, v27  }
0xa8: {  	vm13 =	vgt.f32 v28, v26;
	vm8 =	vmand vm8, vm12  }
0xa9: {  	vm8 =	vmor vm13, vm8  }
0xaa: {  	v26 =	vsel vm8, v28, v26;
	v27 =	vsel vm8, v29, v27  }
0xab: {  	v28 =	vperm.xlane v26, v20;
	v29 =	vperm.xlane v27, v20;
	_ =	sdelay $0x1  }
0xac: {  	vm8 =	veq.f32 v28, v26;
	vm14 =	vlt.s32 v29, v27  }
0xad: {  	vm15 =	vgt.f32 v28, v26;
	vm8 =	vmand vm8, vm14  }
0xae: {  	vm8 =	vmor vm15, vm8  }
0xaf: {  	v26 =	vsel vm8, v28, v26;
	v27 =	vsel vm8, v29, v27  }
0xb0: {  	v28 =	vperm.xlane v26, v21;
	v29 =	vperm.xlane v27, v21;
	_ =	sdelay $0x1  }
0xb1: {  	vm8 =	veq.f32 v28, v26;
	vm12 =	vlt.s32 v29, v27  }
0xb2: {  	vm13 =	vgt.f32 v28, v26;
	vm8 =	vmand vm8, vm12  }
0xb3: {  	vm8 =	vmor vm13, vm8  }
0xb4: {  	v27 =	vsel vm8, v29, v27  }
0xb5: {  	(v2sf) =	vpush v27, $0x0;
	_ =	sdelay $0xe  }
0xb6: {  	s0 =	spop (v2sf)  }
0xb7: {  	s23 =	ssub.s32 s0, s1  }
0xb8: {  	s30 =	sand.u32 $0x70, s0;
	s23 =	sand.u32 $0xFFFFFF80, s23  }
0xb9: {  	s23 =	sor.u32 s30, s23  }
0xba: {  	v60 =	vld [tilespmem:s23+$0x0];
	_ =	sdelay $0x1  }
0xbb: {  	p2 =	slt.u32 s4, $0x10;
	s0 =	sand.u32 $0xF, s0;
	s30 =	smov.u32 s4  }
0xbc: {  	v31 =	vmov s0;
	s30 =	simm.s32 @!p2 $0x63;
	p2 =	sgt.u32 s4, $0xF;
	s4 =	sadd.s32 $0xFFFFFFF0, s4  }
0xbd: {  	v26 =	vsel vm8, v28, v26;
	vm15 =	veq.s32 v31, v0;
	v61 =	vmov s30;
	s4 =	simm.s32 @!p2 $0x63  }
0xbe: {  	vm14 =	veq.s32 v61, v0;
	v62 =	vmov s4;
	v63 =	vsel vm15, $0xFF61B1E6, v60  }
0xbf: {  	vm8 =	veq.s32 v62, v0;
	v23 =	vsel vm14, v26, v23;
	[tilespmem:s23+$0x0] =	vst v63  }
0xc0: {  	v25 =	vsel vm8, v26, v25;
	[tilespmem:$0x300] =	vst v23  }
0xc1: {  	v22 =	vsel vm14, v27, v22;
	[tilespmem:$0x310] =	vst v25  }
0xc2: {  	v23 =	vsel vm8, v27, v24;
	[tilespmem:$0x380] =	vst v22  }
0xc3: {  	[tilespmem:$0x390] =	vst v23  }
0xc4: {  	[spmem:s7] =	stream.linear.scatter [tilespmem:s19], [sflag:$0x2], $0x20, $0x38;
	[tilespmem:$0x1D40] =	vst v63  }
0xc5: {  	_ =	swait.ge [sflag:s18], $0x20  }
0xc6: {  	[sflag:s18] =	ssyncset.done $0x0  }
0xc7: {  	[sflag:s18] =	ssyncadd.s32 $0xFFFFFFE0  }
0xc8: {  	[spmem:s8] =	stream.linear.scatter [tilespmem:s20], [sflag:$0x2], $0x20, $0x38;
	[tilespmem:$0x1D40] =	vst v63  }
.Ltmp3:
0xc9: {  	_ =	swait.ge [sflag:s18], $0x20;
	(pc) =	sbr.rel @!p0 .LBB2_4-.Ltmp3, $3  }
0xca: {  	[sflag:s18] =	ssyncset.done $0x0  }
0xcb: {  	[sflag:s18] =	ssyncadd.s32 $0xFFFFFFE0  }
0xcc: {  	[bflag:$0x0] =	sbarrier.arrive $0xFFFF;
	_ =	sdelay $0x1  }
.Ltmp4:
0xcd: {  	(pc) =	sbr.rel @p1 .LBB2_9-.Ltmp4, $4  }
.Ltmp5:
0xce: {  	(pc) =	sbr.rel @!p1 .LBB2_8-.Ltmp5, $4  }
0xcf: {  	_ = 	snop  }
0xd0: {  	[bflag:$0x0] =	sbarrier.arrive $0xFFFF  }
0xd1: {  	_ = 	snop  }
0xd2: {  	_ = 	snop  }
.LBB2_4:
0xd3: {  	[tilespmem:s21], [sflag:$0x2] =	stream.strided.gather [spmem:s10], $0x100, s21, s16, $0x38;
	[tilespmem:$0x1D40] =	vst v63  }
0xd4: {  	_ =	swait.ge [sflag:s18], $0x100  }
0xd5: {  	[sflag:s18] =	ssyncset.done $0x0  }
0xd6: {  	[sflag:s18] =	ssyncadd.s32 $0xFFFFFF00  }
0xd7: {  	[tilespmem:s17], [sflag:$0x2] =	stream.strided.gather [spmem:s9], $0x100, s21, s16, $0x38;
	[tilespmem:$0x1D40] =	vst v63  }
0xd8: {  	_ =	swait.ge [sflag:s18], $0x100  }
0xd9: {  	[sflag:s18] =	ssyncset.done $0x0  }
0xda: {  	[sflag:s18] =	ssyncadd.s32 $0xFFFFFF00  }
0xdb: {  	v22 =	vld [tilespmem:$0x100]  }
0xdc: {  	v23 =	vld [tilespmem:$0x200]  }
0xdd: {  	v24 =	vld.msk [tilespmem:$0x120 ss:$0x0], $0xffff  }
0xde: {  	v25 =	vld.msk [tilespmem:$0x220 ss:$0x0], $0xffff  }
0xdf: {  	v26 =	vld.msk [tilespmem:$0x140 ss:$0x0], $0xffff  }
0xe0: {  	v27 =	vld.msk [tilespmem:$0x240 ss:$0x0], $0xffff  }
0xe1: {  	v28 =	vld.msk [tilespmem:$0x160 ss:$0x0], $0xffff  }
0xe2: {  	v29 =	vld.msk [tilespmem:$0x260 ss:$0x0], $0xffff  }
0xe3: {  	v30 =	vld.msk [tilespmem:$0x180 ss:$0x0], $0xffff  }
0xe4: {  	v31 =	vld.msk [tilespmem:$0x280 ss:$0x0], $0xffff  }
0xe5: {  	v32 =	vld.msk [tilespmem:$0x1A0 ss:$0x0], $0xffff  }
0xe6: {  	v33 =	vld.msk [tilespmem:$0x2A0 ss:$0x0], $0xffff  }
0xe7: {  	v34 =	vld.msk [tilespmem:$0x1C0 ss:$0x0], $0xffff;
	v23 =	vnsel vm0, $0x0, v23;
	v22 =	vnsel vm0, $0xFF61B1E6, v22  }
0xe8: {  	v23 =	vsel vm1, v23, v25;
	v25 =	vld.msk [tilespmem:$0x2C0 ss:$0x0], $0xffff;
	v22 =	vsel vm1, v22, v24  }
0xe9: {  	[smem:$0x0] =	sst s22;
	v23 =	vsel vm2, v23, v27;
	v22 =	vsel vm2, v22, v26  }
0xea: {  	[smem:$0x1] =	sst s22;
	v24 =	vld.msk [tilespmem:$0x2E0 ss:$0x0], $0xffff;
	v23 =	vsel vm3, v23, v29;
	v22 =	vsel vm3, v22, v28  }
0xeb: {  	[smem:$0x2] =	sst s22;
	v26 =	vld.msk [tilespmem:$0x1E0 ss:$0x0], $0xffff;
	v23 =	vsel vm4, v23, v31;
	v22 =	vsel vm4, v22, v30  }
0xec: {  	[smem:$0x3] =	sst s22;
	v23 =	vsel vm5, v23, v33;
	v22 =	vsel vm5, v22, v32  }
0xed: {  	[smem:$0x4] =	sst s22;
	v23 =	vsel vm6, v23, v25;
	v22 =	vsel vm6, v22, v34  }
0xee: {  	[smem:$0x5] =	sst s22  }
0xef: {  	[smem:$0x6] =	sst s22;
	v25 =	vsel vm7, v23, v24  }
0xf0: {  	s30 =	simm.s32 $0x0;
	s31 =	simm.s32 $0x1;
	[smem:$0x7] =	sst s22;
	v24 =	vsel vm7, v22, v26;
	v26 =	vshll.u32 v25, $0x4;
	v22 =	vmovc v2;
	v23 =	vmov v2  }
.LBB2_5:
0xf1: {  	p2 =	sne.s32 s31, $0x13;
	v26 =	vor.u32 v0, v26  }
0xf2: {  	v27 =	vperm.xlane v24, v18;
	v28 =	vperm.xlane v26, v18;
	_ =	sdelay $0x1  }
0xf3: {  	vm8 =	veq.f32 v27, v24;
	vm9 =	vlt.s32 v28, v26  }
0xf4: {  	vm10 =	vgt.f32 v27, v24;
	vm8 =	vmand vm8, vm9  }
0xf5: {  	vm8 =	vmor vm10, vm8  }
0xf6: {  	v27 =	vsel vm8, v27, v24;
	v26 =	vsel vm8, v28, v26  }
0xf7: {  	v28 =	vperm.xlane v27, v19;
	v29 =	vperm.xlane v26, v19;
	_ =	sdelay $0x1  }
0xf8: {  	vm8 =	veq.f32 v28, v27;
	vm9 =	vlt.s32 v29, v26  }
0xf9: {  	vm10 =	vgt.f32 v28, v27;
	vm8 =	vmand vm8, vm9  }
0xfa: {  	vm8 =	vmor vm10, vm8  }
0xfb: {  	v27 =	vsel vm8, v28, v27;
	v26 =	vsel vm8, v29, v26  }
0xfc: {  	v28 =	vperm.xlane v27, v20;
	v29 =	vperm.xlane v26, v20;
	_ =	sdelay $0x1  }
0xfd: {  	vm8 =	veq.f32 v28, v27;
	vm9 =	vlt.s32 v29, v26  }
0xfe: {  	vm10 =	vgt.f32 v28, v27;
	vm8 =	vmand vm8, vm9  }
0xff: {  	vm8 =	vmor vm10, vm8  }
0x100: {  	v27 =	vsel vm8, v28, v27;
	v26 =	vsel vm8, v29, v26  }
0x101: {  	v28 =	vperm.xlane v27, v21;
	v29 =	vperm.xlane v26, v21;
	_ =	sdelay $0x1  }
0x102: {  	vm8 =	veq.f32 v28, v27;
	vm9 =	vlt.s32 v29, v26  }
0x103: {  	vm10 =	vgt.f32 v28, v27;
	vm8 =	vmand vm8, vm9  }
0x104: {  	vm8 =	vmor vm10, vm8  }
0x105: {  	v26 =	vsel vm8, v29, v26  }
0x106: {  	(v2sf) =	vpush v26, $0x0;
	_ =	sdelay $0xc  }
0x107: {  	p3 =	slt.u32 s30, $0x10;
	s0 =	smov.u32 s30  }
0x108: {  	s4 =	sadd.s32 $0xFFFFFFF0, s30;
	s0 =	simm.s32 @!p3 $0x63;
	p3 =	sgt.u32 s30, $0xF  }
0x109: {  	s30 =	smov.u32 s31;
	s4 =	simm.s32 @!p3 $0x63;
	s23 =	spop (v2sf)  }
0x10a: {  	v27 =	vmov s4;
	v26 =	vmov s0;
	s3 =	sand.u32 $0xF, s23;
	s23 =	sshra.s32 s23, $0x4  }
0x10b: {  	vm9 =	veq.s32 v27, v0;
	vm8 =	veq.s32 v26, v0;
	s0 =	sadd.s32 s2, s23;
	s4 =	sld [smem:s3+$0x0]  }
0x10c: {  	v22 =	vsel vm8, s0, v22;
	v23 =	vsel vm9, s0, v23  }
0x10d: {  	s0 =	sshll.u32 s3, $0x5  }
0x10e: {  	s23 =	sadd.s32 $0x1, s4;
	s0 =	sadd.s32 s4, s0  }
0x10f: {  	[smem:s3] =	sst s23;
	s0 =	sand.u32 $0xFFFFFFF0, s0  }
0x110: {  	v26 =	vld [tilespmem:s0+$0x200]  }
0x111: {  	v27 =	vld [tilespmem:s0+$0x100];
	_ =	sdelay $0x1  }
0x112: {  	s0 =	sand.u32 $0xF, s4  }
.Ltmp6:
0x113: {  	v28 =	vmov s0;
	(pc) =	sbr.rel @p2 .LBB2_5-.Ltmp6, $4  }
0x114: {  	v29 =	vmov s3;
	v26 =	vperm.xlane v26, v28  }
0x115: {  	vm8 =	veq.s32 v29, v0;
	v27 =	vperm.xlane v27, v28  }
0x116: {  	v25 =	vsel vm8, v26, v25  }
0x117: {  	s31 =	sadd.s32 $0x1, s31;
	v26 =	vshll.u32 v25, $0x4;
	v24 =	vsel vm8, v27, v24  }
0x118: {  	v25 =	vor.u32 v0, v26  }
0x119: {  	v59 =	vperm.xlane v24, v18;
	v27 =	vperm.xlane v25, v18;
	_ =	sdelay $0x1  }
0x11a: {  	vm8 =	veq.f32 v59, v24;
	vm9 =	vlt.s32 v27, v25  }
0x11b: {  	vm10 =	vgt.f32 v59, v24;
	vm8 =	vmand vm8, vm9  }
0x11c: {  	vm8 =	vmor vm10, vm8  }
0x11d: {  	v60 =	vsel vm8, v59, v24;
	v25 =	vsel vm8, v27, v25  }
0x11e: {  	v26 =	vperm.xlane v60, v19;
	v27 =	vperm.xlane v25, v19;
	_ =	sdelay $0x1  }
0x11f: {  	vm8 =	veq.f32 v26, v60;
	vm13 =	vlt.s32 v27, v25  }
0x120: {  	vm14 =	vgt.f32 v26, v60;
	vm8 =	vmand vm8, vm13  }
0x121: {  	vm8 =	vmor vm14, vm8  }
0x122: {  	v24 =	vsel vm8, v26, v60;
	v25 =	vsel vm8, v27, v25  }
0x123: {  	v26 =	vperm.xlane v24, v20;
	v27 =	vperm.xlane v25, v20;
	_ =	sdelay $0x1  }
0x124: {  	vm8 =	veq.f32 v26, v24;
	vm15 =	vlt.s32 v27, v25  }
0x125: {  	vm12 =	vgt.f32 v26, v24;
	vm8 =	vmand vm8, vm15  }
0x126: {  	vm8 =	vmor vm12, vm8  }
0x127: {  	v24 =	vsel vm8, v26, v24;
	v25 =	vsel vm8, v27, v25  }
0x128: {  	v26 =	vperm.xlane v24, v21;
	v27 =	vperm.xlane v25, v21;
	_ =	sdelay $0x1  }
0x129: {  	vm8 =	veq.f32 v26, v24;
	vm13 =	vlt.s32 v27, v25  }
0x12a: {  	vm14 =	vgt.f32 v26, v24;
	vm8 =	vmand vm8, vm13  }
0x12b: {  	vm8 =	vmor vm14, vm8  }
0x12c: {  	v61 =	vsel vm8, v27, v25  }
0x12d: {  	(v2sf) =	vpush v61, $0x0;
	_ =	sdelay $0xd  }
0x12e: {  	p2 =	slt.u32 s30, $0x10;
	s0 =	smov.u32 s30;
	s4 =	sadd.s32 $0xFFFFFFF0, s30  }
0x12f: {  	s0 =	simm.s32 @!p2 $0x63;
	p2 =	sgt.u32 s30, $0xF;
	s3 =	spop (v2sf)  }
0x130: {  	s4 =	simm.s32 @!p2 $0x63;
	v62 =	vmov s0;
	s23 =	sand.u32 $0xF, s3;
	s3 =	sshra.s32 s3, $0x4  }
0x131: {  	v63 =	vmov s4;
	vm8 =	veq.s32 v62, v0;
	s30 =	sld [smem:s23+$0x0];
	s3 =	sadd.s32 s2, s3  }
0x132: {  	vm15 =	veq.s32 v63, v0;
	v22 =	vsel vm8, s3, v22  }
0x133: {  	v23 =	vsel vm15, s3, v23;
	[tilespmem:$0x400] =	vst v22  }
0x134: {  	s31 =	simm.s32 $0x400;
	[tilespmem:$0x410] =	vst v23;
	s0 =	sadd.s32 $0x1, s30  }
0x135: {  	[spmem:s9] =	stream.linear.scatter [tilespmem:s31], [sflag:$0x2], $0x20, $0x38;
	[tilespmem:$0x1D40] =	vst v63  }
0x136: {  	[smem:s23] =	sst s0  }
.Ltmp7:
0x137: {  	_ =	swait.ge [sflag:s18], $0x20;
	(pc) =	sbr.rel .LBB2_8-.Ltmp7, $3  }
0x138: {  	[sflag:s18] =	ssyncset.done $0x0  }
0x139: {  	[sflag:s18] =	ssyncadd.s32 $0xFFFFFFE0  }
0x13a: {  	[bflag:$0x0] =	sbarrier.arrive $0xFFFF;
	_ =	sdelay $0x1  }
.LBB2_10:
0x13b: {  	_ =	sfence.sel $0x180000  }
0x13c: {  	[bflag:$0x0] =	sbarrier.arrive $0xFFFF  }
0x13d: {  	_ =	strace $0x90000047  }
0x13e: {  	s0 =	stileid.u32;
	[bflag:$0x2] =	sbarrier.arrive $0xFFFF  }
0x13f: {  	p0 =	sne.s32 s0, $0x0;
	s0 =	rddreg [dreg:$0x4]  }
0x140: {  	s0 =	sadd.s32 @!p0 $0x100000, s0  }
0x141: {  	[sflag:s0] =	ssyncadd.tile.s32 @!p0 $0x1;
	_ =	shalt  }
.Lfunc_end2:
_tile_overlayer_lowered:
.L_overlay_start_2:
0x142: {  	(tag) =	ssettag $0x2  }
0x143: {  	s0 =	rddreg [dreg:$0x0];
	s2 =	stileid.u32  }
0x144: {  	s1 =	rddreg [dreg:$0x1];
	p0 =	sne.s32 s2, $0x0  }
0x145: {  	s3 =	rddreg [dreg:$0x2];
	[bflag:$0x3] =	sbarrier.arrive $0xFFFF;
	s2 =	simm.s32 @!p0 $0x1C02  }
0x146: {  	[timem:s3], [sflag:s2] =	dma.local @!p0 [hbm:s0], s1  }
0x147: {  	s0 =	simm.s32 @!p0 $0x2  }
0x148: {  	_ =	swait.ge @!p0 [sflag:s0], s1  }
0x149: {  	s1 =	ssub.s32 @!p0 $0x0, s1;
	[sflag:s0] =	ssyncset.done @!p0 $0x0  }
0x14a: {  	[sflag:s0] =	ssyncadd.s32 @!p0 s1  }
0x14b: {  	[bflag:$0x3] =	sbarrier.arrive $0xFFFF  }
0x14c: {  	_ =	shalt  }

</sc_bundles>
